<compile_context>
chip_gen: v7x
topology: tpu7x:2x2x1
jax: 0.10.2.dev20260603
libtpu: 0.0.44.dev20260713+nightly
codegen_flags: <defaults>
</compile_context>

<pallas_src>
import jax
import jax.numpy as jnp
from jax import lax
from jax.experimental import pallas as pl
from jax.experimental.pallas import tpu as pltpu
from jax.experimental.pallas import tpu_sc as plsc

N = 10000
D = 128
E = 320000

_NUM_CORES = 2
_NUM_SUBCORES = 16
_NW = _NUM_CORES * _NUM_SUBCORES
_EPW = E // _NW
_L = 16
_DN = (((1,), (1,)), ((), ()))


_XBLK = 5120


def _tc_project(x_ref, wun_ref, wp_ref, bun_ref, bp_ref,
                un_ref, p0_ref, p1_ref):
    x = x_ref[...]
    w3 = jnp.concatenate([wun_ref[...], wp_ref[...]], axis=0)
    out3 = lax.dot_general(w3, x, _DN,
                           preferred_element_type=jnp.float32)
    un_ref[...] = out3[0:1, :] + bun_ref[0, 0]
    p0_ref[...] = out3[1:2, :]
    p1_ref[...] = out3[2:3, :] + bp_ref[0, 0]


_WLEN = _EPW + 112
_NITER = _WLEN // _L
_NPAD = _WLEN
_SPLIT = 5120


def _sc_kernel(un_hbm, p0_hbm, p1_hbm, src_hbm, dst_hbm, out_hbm,
               src_v, dst_v, p0_v, p1_v, out_v, un_v,
               sem0, sem1, sem2, sem3, sem4, sem5):
    wid = lax.axis_index("s") * _NUM_CORES + lax.axis_index("c")
    delta = (16 * (wid + 1)) % 128
    e0 = pl.multiple_of(
        jnp.where(wid == 0, 0,
                  jnp.where(wid == _NW - 1, E - _WLEN, wid * _EPW - delta)),
        16)
    cp_p0 = pltpu.make_async_copy(p0_hbm.at[0, pl.ds(0, _NPAD)], p0_v, sem2)
    cp_p1 = pltpu.make_async_copy(p1_hbm.at[0, pl.ds(0, _NPAD)], p1_v, sem3)
    cp_p0.start()
    cp_p1.start()
    cp_src_a = pltpu.make_async_copy(
        src_hbm.at[pl.ds(e0, _SPLIT)], src_v.at[pl.ds(0, _SPLIT)], sem0)
    cp_dst_a = pltpu.make_async_copy(
        dst_hbm.at[pl.ds(e0, _SPLIT)], dst_v.at[pl.ds(0, _SPLIT)], sem1)
    cp_src_b = pltpu.make_async_copy(
        src_hbm.at[pl.ds(e0 + _SPLIT, _WLEN - _SPLIT)],
        src_v.at[pl.ds(_SPLIT, _WLEN - _SPLIT)], sem4)
    cp_dst_b = pltpu.make_async_copy(
        dst_hbm.at[pl.ds(e0 + _SPLIT, _WLEN - _SPLIT)],
        dst_v.at[pl.ds(_SPLIT, _WLEN - _SPLIT)], sem5)
    cp_src_a.start()
    cp_dst_a.start()

    @pl.when(jnp.logical_and(wid >= 1, wid <= 9))
    def _copy_unary_main():
        off = pl.multiple_of((wid - 1) * 1024, 128)
        pltpu.sync_copy(un_hbm.at[0, pl.ds(off, 1024)], un_v)
        pltpu.sync_copy(un_v, out_hbm.at[0, pl.ds(off, 1024)])

    @pl.when(wid == 10)
    def _copy_unary_tail():
        pltpu.sync_copy(un_hbm.at[0, pl.ds(9216, 768)], un_v.at[pl.ds(0, 768)])
        pltpu.sync_copy(un_v.at[pl.ds(0, 768)], out_hbm.at[0, pl.ds(9216, 768)])

    @pl.when(wid == 0)
    def _copy_unary_head():
        pltpu.sync_copy(un_hbm.at[0, pl.ds(N - _L, 128)],
                        out_v.at[pl.ds(0, 128)])

    boff = jnp.where(wid == 0, _L, 0)

    cp_src_a.wait()
    cp_dst_a.wait()
    cp_p0.wait()
    cp_p1.wait()
    cp_src_b.start()
    cp_dst_b.start()

    @plsc.parallel_loop(0, _SPLIT // _L, unroll=4)
    def _body_a(i):
        off = i * _L
        s = src_v[pl.ds(off, _L)]
        d = dst_v[pl.ds(off, _L)]
        g0 = plsc.load_gather(p0_v, [s])
        g1 = plsc.load_gather(p1_v, [d])
        out_v[pl.ds(boff + off, _L)] = g0 + g1

    cp_src_b.wait()
    cp_dst_b.wait()

    @plsc.parallel_loop(_SPLIT // _L, _NITER, unroll=4)
    def _body_b(i):
        off = i * _L
        s = src_v[pl.ds(off, _L)]
        d = dst_v[pl.ds(off, _L)]
        g0 = plsc.load_gather(p0_v, [s])
        g1 = plsc.load_gather(p1_v, [d])
        out_v[pl.ds(boff + off, _L)] = g0 + g1

    a0 = pl.multiple_of(N + wid * _EPW - delta, 128)

    @pl.when(wid < _NW - 1)
    def _store_full():
        pltpu.sync_copy(out_v.at[pl.ds(0, _WLEN)],
                        out_hbm.at[0, pl.ds(a0, _WLEN)])

    @pl.when(wid == _NW - 1)
    def _store_last():
        pltpu.sync_copy(out_v.at[pl.ds(112, _EPW - _L)],
                        out_hbm.at[0, pl.ds(a0, _EPW - _L)])
        pltpu.sync_copy(out_v.at[pl.ds(_WLEN - _L, _L)],
                        out_hbm.at[0, pl.ds(N + E - _L, _L)])


def kernel(input_states, W_un, b_un, W_pair, b_pair, pair_src, pair_dst):
    _vec_spec = pl.BlockSpec((1, _XBLK), lambda i: (0, i))
    un, p0, p1 = pl.pallas_call(
        _tc_project,
        grid=(2,),
        in_specs=[
            pl.BlockSpec((_XBLK, D), lambda i: (i, 0)),
            pl.BlockSpec((1, D), lambda i: (0, 0)),
            pl.BlockSpec((2, D), lambda i: (0, 0)),
            pl.BlockSpec((1, 1), lambda i: (0, 0)),
            pl.BlockSpec((1, 1), lambda i: (0, 0)),
        ],
        out_specs=[_vec_spec, _vec_spec, _vec_spec],
        out_shape=[
            jax.ShapeDtypeStruct((1, _NPAD), jnp.float32),
            jax.ShapeDtypeStruct((1, _NPAD), jnp.float32),
            jax.ShapeDtypeStruct((1, _NPAD), jnp.float32),
        ],
    )(input_states, W_un.reshape(1, D), W_pair.reshape(2, D),
      b_un.reshape(1, 1), b_pair.reshape(1, 1))

    mesh = plsc.VectorSubcoreMesh(core_axis_name="c", subcore_axis_name="s")
    out = pl.kernel(
        _sc_kernel,
        mesh=mesh,
        compiler_params=pltpu.CompilerParams(needs_layout_passes=False),
        out_type=jax.ShapeDtypeStruct((1, N + E), jnp.float32),
        scratch_types=[
            pltpu.VMEM((_WLEN,), jnp.int32),
            pltpu.VMEM((_WLEN,), jnp.int32),
            pltpu.VMEM((_NPAD,), jnp.float32),
            pltpu.VMEM((_NPAD,), jnp.float32),
            pltpu.VMEM((_WLEN + _L,), jnp.float32),
            pltpu.VMEM((1024,), jnp.float32),
            pltpu.SemaphoreType.DMA,
            pltpu.SemaphoreType.DMA,
            pltpu.SemaphoreType.DMA,
            pltpu.SemaphoreType.DMA,
            pltpu.SemaphoreType.DMA,
            pltpu.SemaphoreType.DMA,
        ],
    )(un, p0, p1, pair_src, pair_dst)

    return out.reshape(N + E, 1)

# --- scband reference (transcript-rebuilt; emitter-appended) ---
"""Pipeline reference for scband-factor-graph-cpp-58609123721728 (READ-ONLY COPY).

The authoritative reference and input builder live on the scoring server;
editing this copy changes nothing except your own understanding.
"""

import jax, jax.numpy as jnp
import numpy as np

N = 10000   # num label nodes
D = 128     # state_dim
E = 320000  # num pairwise factors (edges), avg_degree=32


def setup_inputs(seed: int = 0) -> dict:
    key = jax.random.key(seed)
    k1, k2, k3, k4, k5 = jax.random.split(key, 5)
    input_states = jax.random.normal(k1, (N, D), dtype=jnp.float32)
    # factor_label_indices, baked into the module at __init__ time (int constants)
    pair_src = jax.random.randint(k2, (E,), 0, N, dtype=jnp.int32)
    pair_dst = jax.random.randint(k3, (E,), 0, N, dtype=jnp.int32)
    # learned parameters of the factor models
    W_un = jax.random.normal(k4, (D, 1), dtype=jnp.float32) * 0.05
    b_un = jnp.zeros((1,), dtype=jnp.float32)
    W_pair = jax.random.normal(k5, (2 * D, 1), dtype=jnp.float32) * 0.05
    b_pair = jnp.zeros((1,), dtype=jnp.float32)
    return {
        "input_states": input_states,
        "W_un": W_un,
        "b_un": b_un,
        "W_pair": W_pair,
        "b_pair": b_pair,
        "pair_src": pair_src,
        "pair_dst": pair_dst,
    }


def reference(input_states, W_un, b_un, W_pair, b_pair, pair_src, pair_dst):
    # unary factor type: factor_label_indices['unary'] = [range(N)] -> identity gather
    unary_states = jnp.take(input_states, jnp.arange(N), axis=0)  # [N, D]
    unary_vals = unary_states @ W_un + b_un                        # [N, 1]
    # pairwise factor type: two gathers (one per position in the dependency tuple)
    s0 = jnp.take(input_states, pair_src, axis=0)  # [E, D]
    s1 = jnp.take(input_states, pair_dst, axis=0)  # [E, D]
    pair_vals = jnp.concatenate([s0, s1], axis=-1) @ W_pair + b_pair  # [E, 1]
    # original returns {'unary': unary_vals, 'pairwise': pair_vals}; concatenate for a single output array
    return jnp.concatenate([unary_vals, pair_vals], axis=0)  # [N+E, 1]

if __name__ == "__main__":
    import jax
    _d = setup_inputs()
    print(jax.jit(kernel)(*tuple(_d.values())))

</pallas_src>

<mosaic_0001>
#map = affine_map<(d0, d1) -> (0, 0)>
#map1 = affine_map<(d0, d1) -> (0)>
module attributes {stable_mosaic.version = 14 : i64} {
  func.func @_sc_kernel(%arg0: i32, %arg1: i32, %arg2: memref<1x10112xf32, #tpu.memory_space<hbm>>, %arg3: memref<1x10112xf32, #tpu.memory_space<hbm>>, %arg4: memref<1x10112xf32, #tpu.memory_space<hbm>>, %arg5: memref<320000xi32, #tpu.memory_space<hbm>>, %arg6: memref<320000xi32, #tpu.memory_space<hbm>>, %arg7: memref<1x330000xf32, #tpu.memory_space<hbm>>, %arg8: memref<10112xi32, #tpu.memory_space<vmem>>, %arg9: memref<10112xi32, #tpu.memory_space<vmem>>, %arg10: memref<10112xf32, #tpu.memory_space<vmem>>, %arg11: memref<10112xf32, #tpu.memory_space<vmem>>, %arg12: memref<10128xf32, #tpu.memory_space<vmem>>, %arg13: memref<1024xf32, #tpu.memory_space<vmem>>, %arg14: memref<!tpu.dma_semaphore, #tpu.memory_space<semaphore_mem>>, %arg15: memref<!tpu.dma_semaphore, #tpu.memory_space<semaphore_mem>>, %arg16: memref<!tpu.dma_semaphore, #tpu.memory_space<semaphore_mem>>, %arg17: memref<!tpu.dma_semaphore, #tpu.memory_space<semaphore_mem>>, %arg18: memref<!tpu.dma_semaphore, #tpu.memory_space<semaphore_mem>>, %arg19: memref<!tpu.dma_semaphore, #tpu.memory_space<semaphore_mem>>) attributes {dimension_semantics = [#tpu.dimension_semantics<core_parallel>, #tpu.dimension_semantics<subcore_parallel>], iteration_bounds = array<i64: 2, 16>, scalar_prefetch = 0 : i64, scratch_operands = 12 : i64, tpu.core_type = #tpu.core_type<sc_vector_subcore>, window_params = [{transform_indices = #map}, {transform_indices = #map}, {transform_indices = #map}, {transform_indices = #map1}, {transform_indices = #map1}, {transform_indices = #map}]} {
    %mul3A = arith.constant 2 : i32
    %mul3A_0 = arith.muli %arg1, %mul3A : i32
    %add3A = arith.addi %mul3A_0, %arg0 : i32
    %add3A_1 = arith.constant 1 : i32
    %add3A_2 = arith.addi %add3A, %add3A_1 : i32
    %mul3A_3 = arith.constant 16 : i32
    %mul3A_4 = arith.muli %mul3A_3, %add3A_2 : i32
    %jit3A = arith.constant 128 : i32
    %eq3A = arith.constant 0 : i32
    %eq3A_5 = arith.cmpi eq, %jit3A, %eq3A : i32
    %jit3A_6 = arith.constant 1 : i32
    %select_n3A = arith.select %eq3A_5, %jit3A_6, %jit3A : i32
    %rem3A = arith.remsi %mul3A_4, %select_n3A : i32
    %ne3A = arith.constant 0 : i32
    %ne3A_7 = arith.cmpi ne, %rem3A, %ne3A : i32
    %lt3A = arith.constant 0 : i32
    %lt3A_8 = arith.cmpi slt, %rem3A, %lt3A : i32
    %lt3A_9 = arith.constant 0 : i32
    %lt3A_10 = arith.cmpi slt, %select_n3A, %lt3A_9 : i32
    %ne3A_11 = arith.xori %lt3A_8, %lt3A_10 : i1
    %and3A = arith.andi %ne3A_11, %ne3A_7 : i1
    %add3A_12 = arith.addi %rem3A, %select_n3A : i32
    %select_n3A_13 = arith.select %and3A, %add3A_12, %rem3A : i32
    %eq3A_14 = arith.constant 0 : i32
    %eq3A_15 = arith.cmpi eq, %add3A, %eq3A_14 : i32
    %eq3A_16 = arith.constant 31 : i32
    %eq3A_17 = arith.cmpi eq, %add3A, %eq3A_16 : i32
    %mul3A_18 = arith.constant 10000 : i32
    %mul3A_19 = arith.muli %add3A, %mul3A_18 : i32
    %sub3A = arith.subi %mul3A_19, %select_n3A_13 : i32
    %jit3A_20 = arith.constant 309888 : i32
    %select_n3A_21 = arith.select %eq3A_17, %jit3A_20, %sub3A : i32
    %jit3A_22 = arith.constant 0 : i32
    %select_n3A_23 = arith.select %eq3A_15, %jit3A_22, %select_n3A_21 : i32
    %multiple_of3A = tpu.assume_multiple %select_n3A_23, 16 : i32
    %dma_start3A = arith.constant 0 : i32
    %dma_start3A_24 = arith.constant 0 : i32
    %dma_start3A_25 = tpu.memref_slice %arg3[%dma_start3A, %dma_start3A_24] : memref<1x10112xf32, #tpu.memory_space<hbm>> -> memref<1x10112xf32, #tpu.memory_space<hbm>>
    %dma_start3A_26 = tpu.memref_squeeze %dma_start3A_25 : memref<1x10112xf32, #tpu.memory_space<hbm>> -> memref<10112xf32, #tpu.memory_space<hbm>>
    %dma_start3A_27 = arith.constant 0 : i32
    %dma_start3A_28 = tpu.memref_slice %arg3[%dma_start3A, %dma_start3A_27] : memref<1x10112xf32, #tpu.memory_space<hbm>> -> memref<1x10112xf32, #tpu.memory_space<hbm>>
    %dma_start3A_29 = tpu.memref_squeeze %dma_start3A_28 : memref<1x10112xf32, #tpu.memory_space<hbm>> -> memref<10112xf32, #tpu.memory_space<hbm>>
    tpu.enqueue_dma source(%dma_start3A_29 : memref<10112xf32, #tpu.memory_space<hbm>>) target(%arg10 : memref<10112xf32, #tpu.memory_space<vmem>>) target_semaphore(%arg16 : memref<!tpu.dma_semaphore, #tpu.memory_space<semaphore_mem>>)
    %dma_start3A_30 = arith.constant 0 : i32
    %dma_start3A_31 = arith.constant 0 : i32
    %dma_start3A_32 = tpu.memref_slice %arg4[%dma_start3A_30, %dma_start3A_31] : memref<1x10112xf32, #tpu.memory_space<hbm>> -> memref<1x10112xf32, #tpu.memory_space<hbm>>
    %dma_start3A_33 = tpu.memref_squeeze %dma_start3A_32 : memref<1x10112xf32, #tpu.memory_space<hbm>> -> memref<10112xf32, #tpu.memory_space<hbm>>
    %dma_start3A_34 = arith.constant 0 : i32
    %dma_start3A_35 = tpu.memref_slice %arg4[%dma_start3A_30, %dma_start3A_34] : memref<1x10112xf32, #tpu.memory_space<hbm>> -> memref<1x10112xf32, #tpu.memory_space<hbm>>
    %dma_start3A_36 = tpu.memref_squeeze %dma_start3A_35 : memref<1x10112xf32, #tpu.memory_space<hbm>> -> memref<10112xf32, #tpu.memory_space<hbm>>
    tpu.enqueue_dma source(%dma_start3A_36 : memref<10112xf32, #tpu.memory_space<hbm>>) target(%arg11 : memref<10112xf32, #tpu.memory_space<vmem>>) target_semaphore(%arg17 : memref<!tpu.dma_semaphore, #tpu.memory_space<semaphore_mem>>)
    %add3A_37 = arith.constant 5120 : i32
    %add3A_38 = arith.addi %multiple_of3A, %add3A_37 : i32
    %add3A_39 = arith.constant 5120 : i32
    %add3A_40 = arith.addi %multiple_of3A, %add3A_39 : i32
    %dma_start3A_41 = arith.constant 0 : i32
    %dma_start3A_42 = tpu.memref_slice %arg8[%dma_start3A_41] : memref<10112xi32, #tpu.memory_space<vmem>> -> memref<5120xi32, #tpu.memory_space<vmem>>
    %dma_start3A_43 = tpu.memref_slice %arg5[%multiple_of3A] : memref<320000xi32, #tpu.memory_space<hbm>> -> memref<5120xi32, #tpu.memory_space<hbm>>
    %dma_start3A_44 = arith.constant 0 : i32
    %dma_start3A_45 = tpu.memref_slice %arg8[%dma_start3A_44] : memref<10112xi32, #tpu.memory_space<vmem>> -> memref<5120xi32, #tpu.memory_space<vmem>>
    %dma_start3A_46 = tpu.memref_slice %arg5[%multiple_of3A] : memref<320000xi32, #tpu.memory_space<hbm>> -> memref<5120xi32, #tpu.memory_space<hbm>>
    tpu.enqueue_dma source(%dma_start3A_46 : memref<5120xi32, #tpu.memory_space<hbm>>) target(%dma_start3A_45 : memref<5120xi32, #tpu.memory_space<vmem>>) target_semaphore(%arg14 : memref<!tpu.dma_semaphore, #tpu.memory_space<semaphore_mem>>)
    %dma_start3A_47 = arith.constant 0 : i32
    %dma_start3A_48 = tpu.memref_slice %arg9[%dma_start3A_47] : memref<10112xi32, #tpu.memory_space<vmem>> -> memref<5120xi32, #tpu.memory_space<vmem>>
    %dma_start3A_49 = tpu.memref_slice %arg6[%multiple_of3A] : memref<320000xi32, #tpu.memory_space<hbm>> -> memref<5120xi32, #tpu.memory_space<hbm>>
    %dma_start3A_50 = arith.constant 0 : i32
    %dma_start3A_51 = tpu.memref_slice %arg9[%dma_start3A_50] : memref<10112xi32, #tpu.memory_space<vmem>> -> memref<5120xi32, #tpu.memory_space<vmem>>
    %dma_start3A_52 = tpu.memref_slice %arg6[%multiple_of3A] : memref<320000xi32, #tpu.memory_space<hbm>> -> memref<5120xi32, #tpu.memory_space<hbm>>
    tpu.enqueue_dma source(%dma_start3A_52 : memref<5120xi32, #tpu.memory_space<hbm>>) target(%dma_start3A_51 : memref<5120xi32, #tpu.memory_space<vmem>>) target_semaphore(%arg15 : memref<!tpu.dma_semaphore, #tpu.memory_space<semaphore_mem>>)
    %ge3A = arith.constant 1 : i32
    %ge3A_53 = arith.cmpi sge, %add3A, %ge3A : i32
    %le3A = arith.constant 9 : i32
    %le3A_54 = arith.cmpi sle, %add3A, %le3A : i32
    %and3A_55 = arith.andi %ge3A_53, %le3A_54 : i1
    %convert_element_type3A = arith.extui %and3A_55 : i1 to i32
    %cond3A = arith.constant 0 : i32
    %cond3A_56 = arith.cmpi ne, %convert_element_type3A, %cond3A : i32
    scf.if %cond3A_56 {
      %sub3A_142 = arith.constant 1 : i32
      %sub3A_143 = arith.subi %add3A, %sub3A_142 : i32
      %mul3A_144 = arith.constant 1024 : i32
      %mul3A_145 = arith.muli %sub3A_143, %mul3A_144 : i32
      %multiple_of3A_146 = tpu.assume_multiple %mul3A_145, 128 : i32
      %run_scoped3A = arith.constant 0 : i32
      "tpu.region"() ({
        %run_scoped3A_148 = tpu.sem_alloc : memref<!tpu.dma_semaphore, #tpu.memory_space<semaphore_mem>>
        %dma_start3A_149 = tpu.memref_slice %arg2[%run_scoped3A, %multiple_of3A_146] : memref<1x10112xf32, #tpu.memory_space<hbm>> -> memref<1x1024xf32, #tpu.memory_space<hbm>>
        %dma_start3A_150 = tpu.memref_squeeze %dma_start3A_149 : memref<1x1024xf32, #tpu.memory_space<hbm>> -> memref<1024xf32, #tpu.memory_space<hbm>>
        %dma_start3A_151 = tpu.memref_slice %arg2[%run_scoped3A, %multiple_of3A_146] : memref<1x10112xf32, #tpu.memory_space<hbm>> -> memref<1x1024xf32, #tpu.memory_space<hbm>>
        %dma_start3A_152 = tpu.memref_squeeze %dma_start3A_151 : memref<1x1024xf32, #tpu.memory_space<hbm>> -> memref<1024xf32, #tpu.memory_space<hbm>>
        tpu.enqueue_dma source(%dma_start3A_152 : memref<1024xf32, #tpu.memory_space<hbm>>) target(%arg13 : memref<1024xf32, #tpu.memory_space<vmem>>) target_semaphore(%run_scoped3A_148 : memref<!tpu.dma_semaphore, #tpu.memory_space<semaphore_mem>>)
        %dma_wait3A_153 = tpu.memref_slice %arg2[%run_scoped3A, %multiple_of3A_146] : memref<1x10112xf32, #tpu.memory_space<hbm>> -> memref<1x1024xf32, #tpu.memory_space<hbm>>
        %dma_wait3A_154 = tpu.memref_squeeze %dma_wait3A_153 : memref<1x1024xf32, #tpu.memory_space<hbm>> -> memref<1024xf32, #tpu.memory_space<hbm>>
        %dma_wait3A_155 = tpu.memref_slice %arg2[%run_scoped3A, %multiple_of3A_146] : memref<1x10112xf32, #tpu.memory_space<hbm>> -> memref<1x1024xf32, #tpu.memory_space<hbm>>
        %dma_wait3A_156 = tpu.memref_squeeze %dma_wait3A_155 : memref<1x1024xf32, #tpu.memory_space<hbm>> -> memref<1024xf32, #tpu.memory_space<hbm>>
        tpu.wait_dma2 semaphore(%run_scoped3A_148 : memref<!tpu.dma_semaphore, #tpu.memory_space<semaphore_mem>>) src(%dma_wait3A_156 : memref<1024xf32, #tpu.memory_space<hbm>>) dst(%arg13 : memref<1024xf32, #tpu.memory_space<vmem>>)
        tpu.yield
      }) : () -> ()
      %run_scoped3A_147 = arith.constant 0 : i32
      "tpu.region"() ({
        %run_scoped3A_148 = tpu.sem_alloc : memref<!tpu.dma_semaphore, #tpu.memory_space<semaphore_mem>>
        %dma_start3A_149 = tpu.memref_slice %arg7[%run_scoped3A_147, %multiple_of3A_146] : memref<1x330000xf32, #tpu.memory_space<hbm>> -> memref<1x1024xf32, #tpu.memory_space<hbm>>
        %dma_start3A_150 = tpu.memref_squeeze %dma_start3A_149 : memref<1x1024xf32, #tpu.memory_space<hbm>> -> memref<1024xf32, #tpu.memory_space<hbm>>
        %dma_start3A_151 = tpu.memref_slice %arg7[%run_scoped3A_147, %multiple_of3A_146] : memref<1x330000xf32, #tpu.memory_space<hbm>> -> memref<1x1024xf32, #tpu.memory_space<hbm>>
        %dma_start3A_152 = tpu.memref_squeeze %dma_start3A_151 : memref<1x1024xf32, #tpu.memory_space<hbm>> -> memref<1024xf32, #tpu.memory_space<hbm>>
        tpu.enqueue_dma source(%arg13 : memref<1024xf32, #tpu.memory_space<vmem>>) target(%dma_start3A_152 : memref<1024xf32, #tpu.memory_space<hbm>>) target_semaphore(%run_scoped3A_148 : memref<!tpu.dma_semaphore, #tpu.memory_space<semaphore_mem>>)
        %dma_wait3A_153 = tpu.memref_slice %arg7[%run_scoped3A_147, %multiple_of3A_146] : memref<1x330000xf32, #tpu.memory_space<hbm>> -> memref<1x1024xf32, #tpu.memory_space<hbm>>
        %dma_wait3A_154 = tpu.memref_squeeze %dma_wait3A_153 : memref<1x1024xf32, #tpu.memory_space<hbm>> -> memref<1024xf32, #tpu.memory_space<hbm>>
        %dma_wait3A_155 = tpu.memref_slice %arg7[%run_scoped3A_147, %multiple_of3A_146] : memref<1x330000xf32, #tpu.memory_space<hbm>> -> memref<1x1024xf32, #tpu.memory_space<hbm>>
        %dma_wait3A_156 = tpu.memref_squeeze %dma_wait3A_155 : memref<1x1024xf32, #tpu.memory_space<hbm>> -> memref<1024xf32, #tpu.memory_space<hbm>>
        tpu.wait_dma2 semaphore(%run_scoped3A_148 : memref<!tpu.dma_semaphore, #tpu.memory_space<semaphore_mem>>) src(%arg13 : memref<1024xf32, #tpu.memory_space<vmem>>) dst(%dma_wait3A_156 : memref<1024xf32, #tpu.memory_space<hbm>>)
        tpu.yield
      }) : () -> ()
    } else {
    }
    %eq3A_57 = arith.constant 10 : i32
    %eq3A_58 = arith.cmpi eq, %add3A, %eq3A_57 : i32
    %convert_element_type3A_59 = arith.extui %eq3A_58 : i1 to i32
    %cond3A_60 = arith.constant 0 : i32
    %cond3A_61 = arith.cmpi ne, %convert_element_type3A_59, %cond3A_60 : i32
    scf.if %cond3A_61 {
      %run_scoped3A = arith.constant 0 : i32
      "tpu.region"() ({
        %run_scoped3A_143 = tpu.sem_alloc : memref<!tpu.dma_semaphore, #tpu.memory_space<semaphore_mem>>
        %dma_start3A_144 = arith.constant 0 : i32
        %dma_start3A_145 = tpu.memref_slice %arg13[%dma_start3A_144] : memref<1024xf32, #tpu.memory_space<vmem>> -> memref<768xf32, #tpu.memory_space<vmem>>
        %dma_start3A_146 = arith.constant 9216 : i32
        %dma_start3A_147 = tpu.memref_slice %arg2[%run_scoped3A, %dma_start3A_146] : memref<1x10112xf32, #tpu.memory_space<hbm>> -> memref<1x768xf32, #tpu.memory_space<hbm>>
        %dma_start3A_148 = tpu.memref_squeeze %dma_start3A_147 : memref<1x768xf32, #tpu.memory_space<hbm>> -> memref<768xf32, #tpu.memory_space<hbm>>
        %dma_start3A_149 = arith.constant 0 : i32
        %dma_start3A_150 = tpu.memref_slice %arg13[%dma_start3A_149] : memref<1024xf32, #tpu.memory_space<vmem>> -> memref<768xf32, #tpu.memory_space<vmem>>
        %dma_start3A_151 = arith.constant 9216 : i32
        %dma_start3A_152 = tpu.memref_slice %arg2[%run_scoped3A, %dma_start3A_151] : memref<1x10112xf32, #tpu.memory_space<hbm>> -> memref<1x768xf32, #tpu.memory_space<hbm>>
        %dma_start3A_153 = tpu.memref_squeeze %dma_start3A_152 : memref<1x768xf32, #tpu.memory_space<hbm>> -> memref<768xf32, #tpu.memory_space<hbm>>
        tpu.enqueue_dma source(%dma_start3A_153 : memref<768xf32, #tpu.memory_space<hbm>>) target(%dma_start3A_150 : memref<768xf32, #tpu.memory_space<vmem>>) target_semaphore(%run_scoped3A_143 : memref<!tpu.dma_semaphore, #tpu.memory_space<semaphore_mem>>)
        %dma_wait3A_154 = arith.constant 0 : i32
        %dma_wait3A_155 = tpu.memref_slice %arg13[%dma_wait3A_154] : memref<1024xf32, #tpu.memory_space<vmem>> -> memref<768xf32, #tpu.memory_space<vmem>>
        %dma_wait3A_156 = arith.constant 9216 : i32
        %dma_wait3A_157 = tpu.memref_slice %arg2[%run_scoped3A, %dma_wait3A_156] : memref<1x10112xf32, #tpu.memory_space<hbm>> -> memref<1x768xf32, #tpu.memory_space<hbm>>
        %dma_wait3A_158 = tpu.memref_squeeze %dma_wait3A_157 : memref<1x768xf32, #tpu.memory_space<hbm>> -> memref<768xf32, #tpu.memory_space<hbm>>
        %dma_wait3A_159 = arith.constant 0 : i32
        %dma_wait3A_160 = tpu.memref_slice %arg13[%dma_wait3A_159] : memref<1024xf32, #tpu.memory_space<vmem>> -> memref<768xf32, #tpu.memory_space<vmem>>
        %dma_wait3A_161 = arith.constant 9216 : i32
        %dma_wait3A_162 = tpu.memref_slice %arg2[%run_scoped3A, %dma_wait3A_161] : memref<1x10112xf32, #tpu.memory_space<hbm>> -> memref<1x768xf32, #tpu.memory_space<hbm>>
        %dma_wait3A_163 = tpu.memref_squeeze %dma_wait3A_162 : memref<1x768xf32, #tpu.memory_space<hbm>> -> memref<768xf32, #tpu.memory_space<hbm>>
        tpu.wait_dma2 semaphore(%run_scoped3A_143 : memref<!tpu.dma_semaphore, #tpu.memory_space<semaphore_mem>>) src(%dma_wait3A_163 : memref<768xf32, #tpu.memory_space<hbm>>) dst(%dma_wait3A_160 : memref<768xf32, #tpu.memory_space<vmem>>)
        tpu.yield
      }) : () -> ()
      %run_scoped3A_142 = arith.constant 0 : i32
      "tpu.region"() ({
        %run_scoped3A_143 = tpu.sem_alloc : memref<!tpu.dma_semaphore, #tpu.memory_space<semaphore_mem>>
        %dma_start3A_144 = arith.constant 0 : i32
        %dma_start3A_145 = tpu.memref_slice %arg13[%dma_start3A_144] : memref<1024xf32, #tpu.memory_space<vmem>> -> memref<768xf32, #tpu.memory_space<vmem>>
        %dma_start3A_146 = arith.constant 9216 : i32
        %dma_start3A_147 = tpu.memref_slice %arg7[%run_scoped3A_142, %dma_start3A_146] : memref<1x330000xf32, #tpu.memory_space<hbm>> -> memref<1x768xf32, #tpu.memory_space<hbm>>
        %dma_start3A_148 = tpu.memref_squeeze %dma_start3A_147 : memref<1x768xf32, #tpu.memory_space<hbm>> -> memref<768xf32, #tpu.memory_space<hbm>>
        %dma_start3A_149 = arith.constant 9216 : i32
        %dma_start3A_150 = tpu.memref_slice %arg7[%run_scoped3A_142, %dma_start3A_149] : memref<1x330000xf32, #tpu.memory_space<hbm>> -> memref<1x768xf32, #tpu.memory_space<hbm>>
        %dma_start3A_151 = tpu.memref_squeeze %dma_start3A_150 : memref<1x768xf32, #tpu.memory_space<hbm>> -> memref<768xf32, #tpu.memory_space<hbm>>
        %dma_start3A_152 = arith.constant 0 : i32
        %dma_start3A_153 = tpu.memref_slice %arg13[%dma_start3A_152] : memref<1024xf32, #tpu.memory_space<vmem>> -> memref<768xf32, #tpu.memory_space<vmem>>
        tpu.enqueue_dma source(%dma_start3A_153 : memref<768xf32, #tpu.memory_space<vmem>>) target(%dma_start3A_151 : memref<768xf32, #tpu.memory_space<hbm>>) target_semaphore(%run_scoped3A_143 : memref<!tpu.dma_semaphore, #tpu.memory_space<semaphore_mem>>)
        %dma_wait3A_154 = arith.constant 0 : i32
        %dma_wait3A_155 = tpu.memref_slice %arg13[%dma_wait3A_154] : memref<1024xf32, #tpu.memory_space<vmem>> -> memref<768xf32, #tpu.memory_space<vmem>>
        %dma_wait3A_156 = arith.constant 9216 : i32
        %dma_wait3A_157 = tpu.memref_slice %arg7[%run_scoped3A_142, %dma_wait3A_156] : memref<1x330000xf32, #tpu.memory_space<hbm>> -> memref<1x768xf32, #tpu.memory_space<hbm>>
        %dma_wait3A_158 = tpu.memref_squeeze %dma_wait3A_157 : memref<1x768xf32, #tpu.memory_space<hbm>> -> memref<768xf32, #tpu.memory_space<hbm>>
        %dma_wait3A_159 = arith.constant 9216 : i32
        %dma_wait3A_160 = tpu.memref_slice %arg7[%run_scoped3A_142, %dma_wait3A_159] : memref<1x330000xf32, #tpu.memory_space<hbm>> -> memref<1x768xf32, #tpu.memory_space<hbm>>
        %dma_wait3A_161 = tpu.memref_squeeze %dma_wait3A_160 : memref<1x768xf32, #tpu.memory_space<hbm>> -> memref<768xf32, #tpu.memory_space<hbm>>
        %dma_wait3A_162 = arith.constant 0 : i32
        %dma_wait3A_163 = tpu.memref_slice %arg13[%dma_wait3A_162] : memref<1024xf32, #tpu.memory_space<vmem>> -> memref<768xf32, #tpu.memory_space<vmem>>
        tpu.wait_dma2 semaphore(%run_scoped3A_143 : memref<!tpu.dma_semaphore, #tpu.memory_space<semaphore_mem>>) src(%dma_wait3A_163 : memref<768xf32, #tpu.memory_space<vmem>>) dst(%dma_wait3A_161 : memref<768xf32, #tpu.memory_space<hbm>>)
        tpu.yield
      }) : () -> ()
    } else {
    }
    %eq3A_62 = arith.constant 0 : i32
    %eq3A_63 = arith.cmpi eq, %add3A, %eq3A_62 : i32
    %convert_element_type3A_64 = arith.extui %eq3A_63 : i1 to i32
    %cond3A_65 = arith.constant 0 : i32
    %cond3A_66 = arith.cmpi ne, %convert_element_type3A_64, %cond3A_65 : i32
    scf.if %cond3A_66 {
      %run_scoped3A = arith.constant 0 : i32
      "tpu.region"() ({
        %run_scoped3A_142 = tpu.sem_alloc : memref<!tpu.dma_semaphore, #tpu.memory_space<semaphore_mem>>
        %dma_start3A_143 = arith.constant 0 : i32
        %dma_start3A_144 = tpu.memref_slice %arg12[%dma_start3A_143] : memref<10128xf32, #tpu.memory_space<vmem>> -> memref<128xf32, #tpu.memory_space<vmem>>
        %dma_start3A_145 = arith.constant 9984 : i32
        %dma_start3A_146 = tpu.memref_slice %arg2[%run_scoped3A, %dma_start3A_145] : memref<1x10112xf32, #tpu.memory_space<hbm>> -> memref<1x128xf32, #tpu.memory_space<hbm>>
        %dma_start3A_147 = tpu.memref_squeeze %dma_start3A_146 : memref<1x128xf32, #tpu.memory_space<hbm>> -> memref<128xf32, #tpu.memory_space<hbm>>
        %dma_start3A_148 = arith.constant 0 : i32
        %dma_start3A_149 = tpu.memref_slice %arg12[%dma_start3A_148] : memref<10128xf32, #tpu.memory_space<vmem>> -> memref<128xf32, #tpu.memory_space<vmem>>
        %dma_start3A_150 = arith.constant 9984 : i32
        %dma_start3A_151 = tpu.memref_slice %arg2[%run_scoped3A, %dma_start3A_150] : memref<1x10112xf32, #tpu.memory_space<hbm>> -> memref<1x128xf32, #tpu.memory_space<hbm>>
        %dma_start3A_152 = tpu.memref_squeeze %dma_start3A_151 : memref<1x128xf32, #tpu.memory_space<hbm>> -> memref<128xf32, #tpu.memory_space<hbm>>
        tpu.enqueue_dma source(%dma_start3A_152 : memref<128xf32, #tpu.memory_space<hbm>>) target(%dma_start3A_149 : memref<128xf32, #tpu.memory_space<vmem>>) target_semaphore(%run_scoped3A_142 : memref<!tpu.dma_semaphore, #tpu.memory_space<semaphore_mem>>)
        %dma_wait3A_153 = arith.constant 0 : i32
        %dma_wait3A_154 = tpu.memref_slice %arg12[%dma_wait3A_153] : memref<10128xf32, #tpu.memory_space<vmem>> -> memref<128xf32, #tpu.memory_space<vmem>>
        %dma_wait3A_155 = arith.constant 9984 : i32
        %dma_wait3A_156 = tpu.memref_slice %arg2[%run_scoped3A, %dma_wait3A_155] : memref<1x10112xf32, #tpu.memory_space<hbm>> -> memref<1x128xf32, #tpu.memory_space<hbm>>
        %dma_wait3A_157 = tpu.memref_squeeze %dma_wait3A_156 : memref<1x128xf32, #tpu.memory_space<hbm>> -> memref<128xf32, #tpu.memory_space<hbm>>
        %dma_wait3A_158 = arith.constant 0 : i32
        %dma_wait3A_159 = tpu.memref_slice %arg12[%dma_wait3A_158] : memref<10128xf32, #tpu.memory_space<vmem>> -> memref<128xf32, #tpu.memory_space<vmem>>
        %dma_wait3A_160 = arith.constant 9984 : i32
        %dma_wait3A_161 = tpu.memref_slice %arg2[%run_scoped3A, %dma_wait3A_160] : memref<1x10112xf32, #tpu.memory_space<hbm>> -> memref<1x128xf32, #tpu.memory_space<hbm>>
        %dma_wait3A_162 = tpu.memref_squeeze %dma_wait3A_161 : memref<1x128xf32, #tpu.memory_space<hbm>> -> memref<128xf32, #tpu.memory_space<hbm>>
        tpu.wait_dma2 semaphore(%run_scoped3A_142 : memref<!tpu.dma_semaphore, #tpu.memory_space<semaphore_mem>>) src(%dma_wait3A_162 : memref<128xf32, #tpu.memory_space<hbm>>) dst(%dma_wait3A_159 : memref<128xf32, #tpu.memory_space<vmem>>)
        tpu.yield
      }) : () -> ()
    } else {
    }
    %eq3A_67 = arith.constant 0 : i32
    %eq3A_68 = arith.cmpi eq, %add3A, %eq3A_67 : i32
    %jit3A_69 = arith.constant 16 : i32
    %jit3A_70 = arith.constant 0 : i32
    %select_n3A_71 = arith.select %eq3A_68, %jit3A_69, %jit3A_70 : i32
    %dma_wait3A = arith.constant 0 : i32
    %dma_wait3A_72 = tpu.memref_slice %arg8[%dma_wait3A] : memref<10112xi32, #tpu.memory_space<vmem>> -> memref<5120xi32, #tpu.memory_space<vmem>>
    %dma_wait3A_73 = tpu.memref_slice %arg5[%multiple_of3A] : memref<320000xi32, #tpu.memory_space<hbm>> -> memref<5120xi32, #tpu.memory_space<hbm>>
    %dma_wait3A_74 = arith.constant 0 : i32
    %dma_wait3A_75 = tpu.memref_slice %arg8[%dma_wait3A_74] : memref<10112xi32, #tpu.memory_space<vmem>> -> memref<5120xi32, #tpu.memory_space<vmem>>
    %dma_wait3A_76 = tpu.memref_slice %arg5[%multiple_of3A] : memref<320000xi32, #tpu.memory_space<hbm>> -> memref<5120xi32, #tpu.memory_space<hbm>>
    tpu.wait_dma2 semaphore(%arg14 : memref<!tpu.dma_semaphore, #tpu.memory_space<semaphore_mem>>) src(%dma_wait3A_76 : memref<5120xi32, #tpu.memory_space<hbm>>) dst(%dma_wait3A_75 : memref<5120xi32, #tpu.memory_space<vmem>>)
    %dma_wait3A_77 = arith.constant 0 : i32
    %dma_wait3A_78 = tpu.memref_slice %arg9[%dma_wait3A_77] : memref<10112xi32, #tpu.memory_space<vmem>> -> memref<5120xi32, #tpu.memory_space<vmem>>
    %dma_wait3A_79 = tpu.memref_slice %arg6[%multiple_of3A] : memref<320000xi32, #tpu.memory_space<hbm>> -> memref<5120xi32, #tpu.memory_space<hbm>>
    %dma_wait3A_80 = arith.constant 0 : i32
    %dma_wait3A_81 = tpu.memref_slice %arg9[%dma_wait3A_80] : memref<10112xi32, #tpu.memory_space<vmem>> -> memref<5120xi32, #tpu.memory_space<vmem>>
    %dma_wait3A_82 = tpu.memref_slice %arg6[%multiple_of3A] : memref<320000xi32, #tpu.memory_space<hbm>> -> memref<5120xi32, #tpu.memory_space<hbm>>
    tpu.wait_dma2 semaphore(%arg15 : memref<!tpu.dma_semaphore, #tpu.memory_space<semaphore_mem>>) src(%dma_wait3A_82 : memref<5120xi32, #tpu.memory_space<hbm>>) dst(%dma_wait3A_81 : memref<5120xi32, #tpu.memory_space<vmem>>)
    %dma_wait3A_83 = arith.constant 0 : i32
    %dma_wait3A_84 = arith.constant 0 : i32
    %dma_wait3A_85 = tpu.memref_slice %arg3[%dma_wait3A_83, %dma_wait3A_84] : memref<1x10112xf32, #tpu.memory_space<hbm>> -> memref<1x10112xf32, #tpu.memory_space<hbm>>
    %dma_wait3A_86 = tpu.memref_squeeze %dma_wait3A_85 : memref<1x10112xf32, #tpu.memory_space<hbm>> -> memref<10112xf32, #tpu.memory_space<hbm>>
    %dma_wait3A_87 = arith.constant 0 : i32
    %dma_wait3A_88 = tpu.memref_slice %arg3[%dma_wait3A_83, %dma_wait3A_87] : memref<1x10112xf32, #tpu.memory_space<hbm>> -> memref<1x10112xf32, #tpu.memory_space<hbm>>
    %dma_wait3A_89 = tpu.memref_squeeze %dma_wait3A_88 : memref<1x10112xf32, #tpu.memory_space<hbm>> -> memref<10112xf32, #tpu.memory_space<hbm>>
    tpu.wait_dma2 semaphore(%arg16 : memref<!tpu.dma_semaphore, #tpu.memory_space<semaphore_mem>>) src(%dma_wait3A_89 : memref<10112xf32, #tpu.memory_space<hbm>>) dst(%arg10 : memref<10112xf32, #tpu.memory_space<vmem>>)
    %dma_wait3A_90 = arith.constant 0 : i32
    %dma_wait3A_91 = arith.constant 0 : i32
    %dma_wait3A_92 = tpu.memref_slice %arg4[%dma_wait3A_90, %dma_wait3A_91] : memref<1x10112xf32, #tpu.memory_space<hbm>> -> memref<1x10112xf32, #tpu.memory_space<hbm>>
    %dma_wait3A_93 = tpu.memref_squeeze %dma_wait3A_92 : memref<1x10112xf32, #tpu.memory_space<hbm>> -> memref<10112xf32, #tpu.memory_space<hbm>>
    %dma_wait3A_94 = arith.constant 0 : i32
    %dma_wait3A_95 = tpu.memref_slice %arg4[%dma_wait3A_90, %dma_wait3A_94] : memref<1x10112xf32, #tpu.memory_space<hbm>> -> memref<1x10112xf32, #tpu.memory_space<hbm>>
    %dma_wait3A_96 = tpu.memref_squeeze %dma_wait3A_95 : memref<1x10112xf32, #tpu.memory_space<hbm>> -> memref<10112xf32, #tpu.memory_space<hbm>>
    tpu.wait_dma2 semaphore(%arg17 : memref<!tpu.dma_semaphore, #tpu.memory_space<semaphore_mem>>) src(%dma_wait3A_96 : memref<10112xf32, #tpu.memory_space<hbm>>) dst(%arg11 : memref<10112xf32, #tpu.memory_space<vmem>>)
    %dma_start3A_97 = arith.constant 5120 : i32
    %dma_start3A_98 = tpu.memref_slice %arg8[%dma_start3A_97] : memref<10112xi32, #tpu.memory_space<vmem>> -> memref<4992xi32, #tpu.memory_space<vmem>>
    %dma_start3A_99 = tpu.memref_slice %arg5[%add3A_38] : memref<320000xi32, #tpu.memory_space<hbm>> -> memref<4992xi32, #tpu.memory_space<hbm>>
    %dma_start3A_100 = arith.constant 5120 : i32
    %dma_start3A_101 = tpu.memref_slice %arg8[%dma_start3A_100] : memref<10112xi32, #tpu.memory_space<vmem>> -> memref<4992xi32, #tpu.memory_space<vmem>>
    %dma_start3A_102 = tpu.memref_slice %arg5[%add3A_38] : memref<320000xi32, #tpu.memory_space<hbm>> -> memref<4992xi32, #tpu.memory_space<hbm>>
    tpu.enqueue_dma source(%dma_start3A_102 : memref<4992xi32, #tpu.memory_space<hbm>>) target(%dma_start3A_101 : memref<4992xi32, #tpu.memory_space<vmem>>) target_semaphore(%arg18 : memref<!tpu.dma_semaphore, #tpu.memory_space<semaphore_mem>>)
    %dma_start3A_103 = arith.constant 5120 : i32
    %dma_start3A_104 = tpu.memref_slice %arg9[%dma_start3A_103] : memref<10112xi32, #tpu.memory_space<vmem>> -> memref<4992xi32, #tpu.memory_space<vmem>>
    %dma_start3A_105 = tpu.memref_slice %arg6[%add3A_40] : memref<320000xi32, #tpu.memory_space<hbm>> -> memref<4992xi32, #tpu.memory_space<hbm>>
    %dma_start3A_106 = arith.constant 5120 : i32
    %dma_start3A_107 = tpu.memref_slice %arg9[%dma_start3A_106] : memref<10112xi32, #tpu.memory_space<vmem>> -> memref<4992xi32, #tpu.memory_space<vmem>>
    %dma_start3A_108 = tpu.memref_slice %arg6[%add3A_40] : memref<320000xi32, #tpu.memory_space<hbm>> -> memref<4992xi32, #tpu.memory_space<hbm>>
    tpu.enqueue_dma source(%dma_start3A_108 : memref<4992xi32, #tpu.memory_space<hbm>>) target(%dma_start3A_107 : memref<4992xi32, #tpu.memory_space<vmem>>) target_semaphore(%arg19 : memref<!tpu.dma_semaphore, #tpu.memory_space<semaphore_mem>>)
    %parallel_loop3A = arith.constant 0 : i32
    %parallel_loop3A_109 = arith.constant 320 : i32
    %parallel_loop3A_110 = arith.constant 1 : i32
    scf.for %parallel_loop3A_142 = %parallel_loop3A to %parallel_loop3A_109 step %parallel_loop3A_110  : i32 {
      %parallel_loop3A_143 = arith.constant 16 : i32
      %parallel_loop3A_144 = arith.muli %parallel_loop3A_142, %parallel_loop3A_143 : i32
      %parallel_loop3A_145 = arith.index_cast %parallel_loop3A_144 : i32 to index
      %parallel_loop3A_146 = tpu.vector_load %arg8[%parallel_loop3A_145] {strides = array<i32>} : memref<10112xi32, #tpu.memory_space<vmem>>, vector<16xi32>,
      %parallel_loop3A_147 = arith.index_cast %parallel_loop3A_144 : i32 to index
      %parallel_loop3A_148 = tpu.vector_load %arg9[%parallel_loop3A_147] {strides = array<i32>} : memref<10112xi32, #tpu.memory_space<vmem>>, vector<16xi32>,
      %parallel_loop3A_149 = tpu.vector_load_idx %arg10[%parallel_loop3A_146] : memref<10112xf32, #tpu.memory_space<vmem>>[vector<16xi32>], vector<16xf32>,
      %parallel_loop3A_150 = tpu.vector_load_idx %arg11[%parallel_loop3A_148] : memref<10112xf32, #tpu.memory_space<vmem>>[vector<16xi32>], vector<16xf32>,
      %parallel_loop3A_151 = arith.addf %parallel_loop3A_149, %parallel_loop3A_150 : vector<16xf32>
      %parallel_loop3A_152 = arith.addi %select_n3A_71, %parallel_loop3A_144 : i32
      %parallel_loop3A_153 = arith.index_cast %parallel_loop3A_152 : i32 to index
      %parallel_loop3A_154 = tpu.vector_load %arg12[%parallel_loop3A_153] {strides = array<i32>} : memref<10128xf32, #tpu.memory_space<vmem>>, vector<16xf32>,
      tpu.vector_store %arg12[%parallel_loop3A_153], %parallel_loop3A_151 {strides = array<i32>} : memref<10128xf32, #tpu.memory_space<vmem>>, vector<16xf32>,
    } {sc.loop_unroll_factor = 4 : i64, sc.parallel_access}
    %dma_wait3A_111 = arith.constant 5120 : i32
    %dma_wait3A_112 = tpu.memref_slice %arg8[%dma_wait3A_111] : memref<10112xi32, #tpu.memory_space<vmem>> -> memref<4992xi32, #tpu.memory_space<vmem>>
    %dma_wait3A_113 = tpu.memref_slice %arg5[%add3A_38] : memref<320000xi32, #tpu.memory_space<hbm>> -> memref<4992xi32, #tpu.memory_space<hbm>>
    %dma_wait3A_114 = arith.constant 5120 : i32
    %dma_wait3A_115 = tpu.memref_slice %arg8[%dma_wait3A_114] : memref<10112xi32, #tpu.memory_space<vmem>> -> memref<4992xi32, #tpu.memory_space<vmem>>
    %dma_wait3A_116 = tpu.memref_slice %arg5[%add3A_38] : memref<320000xi32, #tpu.memory_space<hbm>> -> memref<4992xi32, #tpu.memory_space<hbm>>
    tpu.wait_dma2 semaphore(%arg18 : memref<!tpu.dma_semaphore, #tpu.memory_space<semaphore_mem>>) src(%dma_wait3A_116 : memref<4992xi32, #tpu.memory_space<hbm>>) dst(%dma_wait3A_115 : memref<4992xi32, #tpu.memory_space<vmem>>)
    %dma_wait3A_117 = arith.constant 5120 : i32
    %dma_wait3A_118 = tpu.memref_slice %arg9[%dma_wait3A_117] : memref<10112xi32, #tpu.memory_space<vmem>> -> memref<4992xi32, #tpu.memory_space<vmem>>
    %dma_wait3A_119 = tpu.memref_slice %arg6[%add3A_40] : memref<320000xi32, #tpu.memory_space<hbm>> -> memref<4992xi32, #tpu.memory_space<hbm>>
    %dma_wait3A_120 = arith.constant 5120 : i32
    %dma_wait3A_121 = tpu.memref_slice %arg9[%dma_wait3A_120] : memref<10112xi32, #tpu.memory_space<vmem>> -> memref<4992xi32, #tpu.memory_space<vmem>>
    %dma_wait3A_122 = tpu.memref_slice %arg6[%add3A_40] : memref<320000xi32, #tpu.memory_space<hbm>> -> memref<4992xi32, #tpu.memory_space<hbm>>
    tpu.wait_dma2 semaphore(%arg19 : memref<!tpu.dma_semaphore, #tpu.memory_space<semaphore_mem>>) src(%dma_wait3A_122 : memref<4992xi32, #tpu.memory_space<hbm>>) dst(%dma_wait3A_121 : memref<4992xi32, #tpu.memory_space<vmem>>)
    %parallel_loop3A_123 = arith.constant 320 : i32
    %parallel_loop3A_124 = arith.constant 632 : i32
    %parallel_loop3A_125 = arith.constant 1 : i32
    scf.for %parallel_loop3A_142 = %parallel_loop3A_123 to %parallel_loop3A_124 step %parallel_loop3A_125  : i32 {
      %parallel_loop3A_143 = arith.constant 16 : i32
      %parallel_loop3A_144 = arith.muli %parallel_loop3A_142, %parallel_loop3A_143 : i32
      %parallel_loop3A_145 = arith.index_cast %parallel_loop3A_144 : i32 to index
      %parallel_loop3A_146 = tpu.vector_load %arg8[%parallel_loop3A_145] {strides = array<i32>} : memref<10112xi32, #tpu.memory_space<vmem>>, vector<16xi32>,
      %parallel_loop3A_147 = arith.index_cast %parallel_loop3A_144 : i32 to index
      %parallel_loop3A_148 = tpu.vector_load %arg9[%parallel_loop3A_147] {strides = array<i32>} : memref<10112xi32, #tpu.memory_space<vmem>>, vector<16xi32>,
      %parallel_loop3A_149 = tpu.vector_load_idx %arg10[%parallel_loop3A_146] : memref<10112xf32, #tpu.memory_space<vmem>>[vector<16xi32>], vector<16xf32>,
      %parallel_loop3A_150 = tpu.vector_load_idx %arg11[%parallel_loop3A_148] : memref<10112xf32, #tpu.memory_space<vmem>>[vector<16xi32>], vector<16xf32>,
      %parallel_loop3A_151 = arith.addf %parallel_loop3A_149, %parallel_loop3A_150 : vector<16xf32>
      %parallel_loop3A_152 = arith.addi %select_n3A_71, %parallel_loop3A_144 : i32
      %parallel_loop3A_153 = arith.index_cast %parallel_loop3A_152 : i32 to index
      %parallel_loop3A_154 = tpu.vector_load %arg12[%parallel_loop3A_153] {strides = array<i32>} : memref<10128xf32, #tpu.memory_space<vmem>>, vector<16xf32>,
      tpu.vector_store %arg12[%parallel_loop3A_153], %parallel_loop3A_151 {strides = array<i32>} : memref<10128xf32, #tpu.memory_space<vmem>>, vector<16xf32>,
    } {sc.loop_unroll_factor = 4 : i64, sc.parallel_access}
    %mul3A_126 = arith.constant 10000 : i32
    %mul3A_127 = arith.muli %add3A, %mul3A_126 : i32
    %add3A_128 = arith.constant 10000 : i32
    %add3A_129 = arith.addi %add3A_128, %mul3A_127 : i32
    %sub3A_130 = arith.subi %add3A_129, %select_n3A_13 : i32
    %multiple_of3A_131 = tpu.assume_multiple %sub3A_130, 128 : i32
    %lt3A_132 = arith.constant 31 : i32
    %lt3A_133 = arith.cmpi slt, %add3A, %lt3A_132 : i32
    %convert_element_type3A_134 = arith.extui %lt3A_133 : i1 to i32
    %cond3A_135 = arith.constant 0 : i32
    %cond3A_136 = arith.cmpi ne, %convert_element_type3A_134, %cond3A_135 : i32
    scf.if %cond3A_136 {
      %run_scoped3A = arith.constant 0 : i32
      "tpu.region"() ({
        %run_scoped3A_142 = tpu.sem_alloc : memref<!tpu.dma_semaphore, #tpu.memory_space<semaphore_mem>>
        %dma_start3A_143 = arith.constant 0 : i32
        %dma_start3A_144 = tpu.memref_slice %arg12[%dma_start3A_143] : memref<10128xf32, #tpu.memory_space<vmem>> -> memref<10112xf32, #tpu.memory_space<vmem>>
        %dma_start3A_145 = tpu.memref_slice %arg7[%run_scoped3A, %multiple_of3A_131] : memref<1x330000xf32, #tpu.memory_space<hbm>> -> memref<1x10112xf32, #tpu.memory_space<hbm>>
        %dma_start3A_146 = tpu.memref_squeeze %dma_start3A_145 : memref<1x10112xf32, #tpu.memory_space<hbm>> -> memref<10112xf32, #tpu.memory_space<hbm>>
        %dma_start3A_147 = tpu.memref_slice %arg7[%run_scoped3A, %multiple_of3A_131] : memref<1x330000xf32, #tpu.memory_space<hbm>> -> memref<1x10112xf32, #tpu.memory_space<hbm>>
        %dma_start3A_148 = tpu.memref_squeeze %dma_start3A_147 : memref<1x10112xf32, #tpu.memory_space<hbm>> -> memref<10112xf32, #tpu.memory_space<hbm>>
        %dma_start3A_149 = arith.constant 0 : i32
        %dma_start3A_150 = tpu.memref_slice %arg12[%dma_start3A_149] : memref<10128xf32, #tpu.memory_space<vmem>> -> memref<10112xf32, #tpu.memory_space<vmem>>
        tpu.enqueue_dma source(%dma_start3A_150 : memref<10112xf32, #tpu.memory_space<vmem>>) target(%dma_start3A_148 : memref<10112xf32, #tpu.memory_space<hbm>>) target_semaphore(%run_scoped3A_142 : memref<!tpu.dma_semaphore, #tpu.memory_space<semaphore_mem>>)
        %dma_wait3A_151 = arith.constant 0 : i32
        %dma_wait3A_152 = tpu.memref_slice %arg12[%dma_wait3A_151] : memref<10128xf32, #tpu.memory_space<vmem>> -> memref<10112xf32, #tpu.memory_space<vmem>>
        %dma_wait3A_153 = tpu.memref_slice %arg7[%run_scoped3A, %multiple_of3A_131] : memref<1x330000xf32, #tpu.memory_space<hbm>> -> memref<1x10112xf32, #tpu.memory_space<hbm>>
        %dma_wait3A_154 = tpu.memref_squeeze %dma_wait3A_153 : memref<1x10112xf32, #tpu.memory_space<hbm>> -> memref<10112xf32, #tpu.memory_space<hbm>>
        %dma_wait3A_155 = tpu.memref_slice %arg7[%run_scoped3A, %multiple_of3A_131] : memref<1x330000xf32, #tpu.memory_space<hbm>> -> memref<1x10112xf32, #tpu.memory_space<hbm>>
        %dma_wait3A_156 = tpu.memref_squeeze %dma_wait3A_155 : memref<1x10112xf32, #tpu.memory_space<hbm>> -> memref<10112xf32, #tpu.memory_space<hbm>>
        %dma_wait3A_157 = arith.constant 0 : i32
        %dma_wait3A_158 = tpu.memref_slice %arg12[%dma_wait3A_157] : memref<10128xf32, #tpu.memory_space<vmem>> -> memref<10112xf32, #tpu.memory_space<vmem>>
        tpu.wait_dma2 semaphore(%run_scoped3A_142 : memref<!tpu.dma_semaphore, #tpu.memory_space<semaphore_mem>>) src(%dma_wait3A_158 : memref<10112xf32, #tpu.memory_space<vmem>>) dst(%dma_wait3A_156 : memref<10112xf32, #tpu.memory_space<hbm>>)
        tpu.yield
      }) : () -> ()
    } else {
    }
    %eq3A_137 = arith.constant 31 : i32
    %eq3A_138 = arith.cmpi eq, %add3A, %eq3A_137 : i32
    %convert_element_type3A_139 = arith.extui %eq3A_138 : i1 to i32
    %cond3A_140 = arith.constant 0 : i32
    %cond3A_141 = arith.cmpi ne, %convert_element_type3A_139, %cond3A_140 : i32
    scf.if %cond3A_141 {
      %run_scoped3A = arith.constant 0 : i32
      "tpu.region"() ({
        %run_scoped3A_143 = tpu.sem_alloc : memref<!tpu.dma_semaphore, #tpu.memory_space<semaphore_mem>>
        %dma_start3A_144 = arith.constant 112 : i32
        %dma_start3A_145 = tpu.memref_slice %arg12[%dma_start3A_144] : memref<10128xf32, #tpu.memory_space<vmem>> -> memref<9984xf32, #tpu.memory_space<vmem>>
        %dma_start3A_146 = tpu.memref_slice %arg7[%run_scoped3A, %multiple_of3A_131] : memref<1x330000xf32, #tpu.memory_space<hbm>> -> memref<1x9984xf32, #tpu.memory_space<hbm>>
        %dma_start3A_147 = tpu.memref_squeeze %dma_start3A_146 : memref<1x9984xf32, #tpu.memory_space<hbm>> -> memref<9984xf32, #tpu.memory_space<hbm>>
        %dma_start3A_148 = tpu.memref_slice %arg7[%run_scoped3A, %multiple_of3A_131] : memref<1x330000xf32, #tpu.memory_space<hbm>> -> memref<1x9984xf32, #tpu.memory_space<hbm>>
        %dma_start3A_149 = tpu.memref_squeeze %dma_start3A_148 : memref<1x9984xf32, #tpu.memory_space<hbm>> -> memref<9984xf32, #tpu.memory_space<hbm>>
        %dma_start3A_150 = arith.constant 112 : i32
        %dma_start3A_151 = tpu.memref_slice %arg12[%dma_start3A_150] : memref<10128xf32, #tpu.memory_space<vmem>> -> memref<9984xf32, #tpu.memory_space<vmem>>
        tpu.enqueue_dma source(%dma_start3A_151 : memref<9984xf32, #tpu.memory_space<vmem>>) target(%dma_start3A_149 : memref<9984xf32, #tpu.memory_space<hbm>>) target_semaphore(%run_scoped3A_143 : memref<!tpu.dma_semaphore, #tpu.memory_space<semaphore_mem>>)
        %dma_wait3A_152 = arith.constant 112 : i32
        %dma_wait3A_153 = tpu.memref_slice %arg12[%dma_wait3A_152] : memref<10128xf32, #tpu.memory_space<vmem>> -> memref<9984xf32, #tpu.memory_space<vmem>>
        %dma_wait3A_154 = tpu.memref_slice %arg7[%run_scoped3A, %multiple_of3A_131] : memref<1x330000xf32, #tpu.memory_space<hbm>> -> memref<1x9984xf32, #tpu.memory_space<hbm>>
        %dma_wait3A_155 = tpu.memref_squeeze %dma_wait3A_154 : memref<1x9984xf32, #tpu.memory_space<hbm>> -> memref<9984xf32, #tpu.memory_space<hbm>>
        %dma_wait3A_156 = tpu.memref_slice %arg7[%run_scoped3A, %multiple_of3A_131] : memref<1x330000xf32, #tpu.memory_space<hbm>> -> memref<1x9984xf32, #tpu.memory_space<hbm>>
        %dma_wait3A_157 = tpu.memref_squeeze %dma_wait3A_156 : memref<1x9984xf32, #tpu.memory_space<hbm>> -> memref<9984xf32, #tpu.memory_space<hbm>>
        %dma_wait3A_158 = arith.constant 112 : i32
        %dma_wait3A_159 = tpu.memref_slice %arg12[%dma_wait3A_158] : memref<10128xf32, #tpu.memory_space<vmem>> -> memref<9984xf32, #tpu.memory_space<vmem>>
        tpu.wait_dma2 semaphore(%run_scoped3A_143 : memref<!tpu.dma_semaphore, #tpu.memory_space<semaphore_mem>>) src(%dma_wait3A_159 : memref<9984xf32, #tpu.memory_space<vmem>>) dst(%dma_wait3A_157 : memref<9984xf32, #tpu.memory_space<hbm>>)
        tpu.yield
      }) : () -> ()
      %run_scoped3A_142 = arith.constant 0 : i32
      "tpu.region"() ({
        %run_scoped3A_143 = tpu.sem_alloc : memref<!tpu.dma_semaphore, #tpu.memory_space<semaphore_mem>>
        %dma_start3A_144 = arith.constant 10096 : i32
        %dma_start3A_145 = tpu.memref_slice %arg12[%dma_start3A_144] : memref<10128xf32, #tpu.memory_space<vmem>> -> memref<16xf32, #tpu.memory_space<vmem>>
        %dma_start3A_146 = arith.constant 329984 : i32
        %dma_start3A_147 = tpu.memref_slice %arg7[%run_scoped3A_142, %dma_start3A_146] : memref<1x330000xf32, #tpu.memory_space<hbm>> -> memref<1x16xf32, #tpu.memory_space<hbm>>
        %dma_start3A_148 = tpu.memref_squeeze %dma_start3A_147 : memref<1x16xf32, #tpu.memory_space<hbm>> -> memref<16xf32, #tpu.memory_space<hbm>>
        %dma_start3A_149 = arith.constant 329984 : i32
        %dma_start3A_150 = tpu.memref_slice %arg7[%run_scoped3A_142, %dma_start3A_149] : memref<1x330000xf32, #tpu.memory_space<hbm>> -> memref<1x16xf32, #tpu.memory_space<hbm>>
        %dma_start3A_151 = tpu.memref_squeeze %dma_start3A_150 : memref<1x16xf32, #tpu.memory_space<hbm>> -> memref<16xf32, #tpu.memory_space<hbm>>
        %dma_start3A_152 = arith.constant 10096 : i32
        %dma_start3A_153 = tpu.memref_slice %arg12[%dma_start3A_152] : memref<10128xf32, #tpu.memory_space<vmem>> -> memref<16xf32, #tpu.memory_space<vmem>>
        tpu.enqueue_dma source(%dma_start3A_153 : memref<16xf32, #tpu.memory_space<vmem>>) target(%dma_start3A_151 : memref<16xf32, #tpu.memory_space<hbm>>) target_semaphore(%run_scoped3A_143 : memref<!tpu.dma_semaphore, #tpu.memory_space<semaphore_mem>>)
        %dma_wait3A_154 = arith.constant 10096 : i32
        %dma_wait3A_155 = tpu.memref_slice %arg12[%dma_wait3A_154] : memref<10128xf32, #tpu.memory_space<vmem>> -> memref<16xf32, #tpu.memory_space<vmem>>
        %dma_wait3A_156 = arith.constant 329984 : i32
        %dma_wait3A_157 = tpu.memref_slice %arg7[%run_scoped3A_142, %dma_wait3A_156] : memref<1x330000xf32, #tpu.memory_space<hbm>> -> memref<1x16xf32, #tpu.memory_space<hbm>>
        %dma_wait3A_158 = tpu.memref_squeeze %dma_wait3A_157 : memref<1x16xf32, #tpu.memory_space<hbm>> -> memref<16xf32, #tpu.memory_space<hbm>>
        %dma_wait3A_159 = arith.constant 329984 : i32
        %dma_wait3A_160 = tpu.memref_slice %arg7[%run_scoped3A_142, %dma_wait3A_159] : memref<1x330000xf32, #tpu.memory_space<hbm>> -> memref<1x16xf32, #tpu.memory_space<hbm>>
        %dma_wait3A_161 = tpu.memref_squeeze %dma_wait3A_160 : memref<1x16xf32, #tpu.memory_space<hbm>> -> memref<16xf32, #tpu.memory_space<hbm>>
        %dma_wait3A_162 = arith.constant 10096 : i32
        %dma_wait3A_163 = tpu.memref_slice %arg12[%dma_wait3A_162] : memref<10128xf32, #tpu.memory_space<vmem>> -> memref<16xf32, #tpu.memory_space<vmem>>
        tpu.wait_dma2 semaphore(%run_scoped3A_143 : memref<!tpu.dma_semaphore, #tpu.memory_space<semaphore_mem>>) src(%dma_wait3A_163 : memref<16xf32, #tpu.memory_space<vmem>>) dst(%dma_wait3A_161 : memref<16xf32, #tpu.memory_space<hbm>>)
        tpu.yield
      }) : () -> ()
    } else {
    }
    return
  }
}

module attributes {stable_mosaic.version = 14 : i64} {
  func.func @_tc_project(%arg0: i32, %arg1: memref<5120x128xf32, #tpu.memory_space<vmem>>, %arg2: memref<1x128xf32, #tpu.memory_space<vmem>>, %arg3: memref<2x128xf32, #tpu.memory_space<vmem>>, %arg4: memref<1x1xf32, #tpu.memory_space<vmem>>, %arg5: memref<1x1xf32, #tpu.memory_space<vmem>>, %arg6: memref<1x5120xf32, #tpu.memory_space<vmem>>, %arg7: memref<1x5120xf32, #tpu.memory_space<vmem>>, %arg8: memref<1x5120xf32, #tpu.memory_space<vmem>>) attributes {dimension_semantics = [#tpu.dimension_semantics<arbitrary>], iteration_bounds = array<i64: 2>, scalar_prefetch = 0 : i64, scratch_operands = 0 : i64, tpu.core_type = #tpu.core_type<tc>, window_params = [{transform_indices = @transform_0, window_bounds = array<i64: 5120, 128>}, {pipeline_mode = #tpu.pipeline_mode<synchronous>, transform_indices = @transform_1, window_bounds = array<i64: 1, 128>}, {pipeline_mode = #tpu.pipeline_mode<synchronous>, transform_indices = @transform_2, window_bounds = array<i64: 2, 128>}, {pipeline_mode = #tpu.pipeline_mode<synchronous>, transform_indices = @transform_3, window_bounds = array<i64: 1, 1>}, {pipeline_mode = #tpu.pipeline_mode<synchronous>, transform_indices = @transform_4, window_bounds = array<i64: 1, 1>}, {transform_indices = @transform_5, window_bounds = array<i64: 1, 5120>}, {transform_indices = @transform_6, window_bounds = array<i64: 1, 5120>}, {transform_indices = @transform_7, window_bounds = array<i64: 1, 5120>}]} {
    %get3A = arith.constant 0 : index
    %get3A_0 = arith.constant 0 : index
    %get3A_1 = vector.load %arg1[%get3A, %get3A_0] : memref<5120x128xf32, #tpu.memory_space<vmem>>, vector<5120x128xf32>
    %get3A_2 = arith.constant 0 : index
    %get3A_3 = arith.constant 0 : index
    %get3A_4 = vector.load %arg2[%get3A_2, %get3A_3] : memref<1x128xf32, #tpu.memory_space<vmem>>, vector<1x128xf32>
    %get3A_5 = arith.constant 0 : index
    %get3A_6 = arith.constant 0 : index
    %get3A_7 = vector.load %arg3[%get3A_5, %get3A_6] : memref<2x128xf32, #tpu.memory_space<vmem>>, vector<2x128xf32>
    %concatenate3A = tpu.concatenate %get3A_4, %get3A_7 in 0 : vector<1x128xf32>, vector<2x128xf32> -> vector<3x128xf32>
    %dot_general3A = arith.constant dense<0.000000e+00> : vector<3x5120xf32>
    %dot_general3A_8 = tpu.matmul %concatenate3A, %get3A_1, %dot_general3A {dimension_numbers = #tpu.dot_dimension_numbers<[1], [1], [0], [0], [0, 0, 1, 0], [], []>, transpose_lhs_hint = false} : vector<3x128xf32>, vector<5120x128xf32>, vector<3x5120xf32> -> vector<3x5120xf32>
    %slice3A = vector.extract_strided_slice %dot_general3A_8 {offsets = [0, 0], sizes = [1, 5120], strides = [1, 1]} : vector<3x5120xf32> to vector<1x5120xf32>
    %get3A_9 = arith.constant 0 : index
    %get3A_10 = arith.constant 0 : index
    %get3A_11 = vector.load %arg4[%get3A_9, %get3A_10] : memref<1x1xf32, #tpu.memory_space<vmem>>, vector<1x1xf32>
    %get3A_12 = vector.extract %get3A_11[0, 0] : f32 from vector<1x1xf32>
    %add3A = vector.broadcast %get3A_12 : f32 to vector<1x5120xf32>
    %add3A_13 = arith.addf %slice3A, %add3A : vector<1x5120xf32>
    %swap3A = arith.constant 0 : index
    %swap3A_14 = arith.constant 0 : index
    %swap3A_15 = vector.load %arg6[%swap3A, %swap3A_14] : memref<1x5120xf32, #tpu.memory_space<vmem>>, vector<1x5120xf32>
    tpu.vector_store %arg6[%swap3A, %swap3A_14], %add3A_13 {strides = array<i32>} : memref<1x5120xf32, #tpu.memory_space<vmem>>, vector<1x5120xf32>,
    %slice3A_16 = vector.extract_strided_slice %dot_general3A_8 {offsets = [1, 0], sizes = [1, 5120], strides = [1, 1]} : vector<3x5120xf32> to vector<1x5120xf32>
    %swap3A_17 = arith.constant 0 : index
    %swap3A_18 = arith.constant 0 : index
    %swap3A_19 = vector.load %arg7[%swap3A_17, %swap3A_18] : memref<1x5120xf32, #tpu.memory_space<vmem>>, vector<1x5120xf32>
    tpu.vector_store %arg7[%swap3A_17, %swap3A_18], %slice3A_16 {strides = array<i32>} : memref<1x5120xf32, #tpu.memory_space<vmem>>, vector<1x5120xf32>,
    %slice3A_20 = vector.extract_strided_slice %dot_general3A_8 {offsets = [2, 0], sizes = [1, 5120], strides = [1, 1]} : vector<3x5120xf32> to vector<1x5120xf32>
    %get3A_21 = arith.constant 0 : index
    %get3A_22 = arith.constant 0 : index
    %get3A_23 = vector.load %arg5[%get3A_21, %get3A_22] : memref<1x1xf32, #tpu.memory_space<vmem>>, vector<1x1xf32>
    %get3A_24 = vector.extract %get3A_23[0, 0] : f32 from vector<1x1xf32>
    %add3A_25 = vector.broadcast %get3A_24 : f32 to vector<1x5120xf32>
    %add3A_26 = arith.addf %slice3A_20, %add3A_25 : vector<1x5120xf32>
    %swap3A_27 = arith.constant 0 : index
    %swap3A_28 = arith.constant 0 : index
    %swap3A_29 = vector.load %arg8[%swap3A_27, %swap3A_28] : memref<1x5120xf32, #tpu.memory_space<vmem>>, vector<1x5120xf32>
    tpu.vector_store %arg8[%swap3A_27, %swap3A_28], %add3A_26 {strides = array<i32>} : memref<1x5120xf32, #tpu.memory_space<vmem>>, vector<1x5120xf32>,
    return
  }
  func.func @transform_0(%arg0: i32) -> (i32, i32) {
    %c0_i32 = arith.constant 0 : i32
    %c0_i32_0 = arith.constant 0 : i32
    return %arg0, %c0_i32 : i32, i32
  }
  func.func @transform_1(%arg0: i32) -> (i32, i32) {
    %c0_i32 = arith.constant 0 : i32
    %c0_i32_0 = arith.constant 0 : i32
    %c0_i32_1 = arith.constant 0 : i32
    return %c0_i32, %c0_i32_0 : i32, i32
  }
  func.func @transform_2(%arg0: i32) -> (i32, i32) {
    %c0_i32 = arith.constant 0 : i32
    %c0_i32_0 = arith.constant 0 : i32
    %c0_i32_1 = arith.constant 0 : i32
    return %c0_i32, %c0_i32_0 : i32, i32
  }
  func.func @transform_3(%arg0: i32) -> (i32, i32) {
    %c0_i32 = arith.constant 0 : i32
    %c0_i32_0 = arith.constant 0 : i32
    %c0_i32_1 = arith.constant 0 : i32
    return %c0_i32, %c0_i32_0 : i32, i32
  }
  func.func @transform_4(%arg0: i32) -> (i32, i32) {
    %c0_i32 = arith.constant 0 : i32
    %c0_i32_0 = arith.constant 0 : i32
    %c0_i32_1 = arith.constant 0 : i32
    return %c0_i32, %c0_i32_0 : i32, i32
  }
  func.func @transform_5(%arg0: i32) -> (i32, i32) {
    %c0_i32 = arith.constant 0 : i32
    %c0_i32_0 = arith.constant 0 : i32
    return %c0_i32, %arg0 : i32, i32
  }
  func.func @transform_6(%arg0: i32) -> (i32, i32) {
    %c0_i32 = arith.constant 0 : i32
    %c0_i32_0 = arith.constant 0 : i32
    return %c0_i32, %arg0 : i32, i32
  }
  func.func @transform_7(%arg0: i32) -> (i32, i32) {
    %c0_i32 = arith.constant 0 : i32
    %c0_i32_0 = arith.constant 0 : i32
    return %c0_i32, %arg0 : i32, i32
  }
}

</mosaic_0001>

<sc_bundles>
// kernel: kernel.4.cloned.1.call-start
scs
__scs_entry_jumppad:
0x0: {  	(pc) =	sbr.rel $0x88, $3  }
0x1: {  	(tag) =	ssettag $0x0;
	lr =	simm.s32 $0x1  }
0x2: {  	[smem:$0x3F9A] =	sst lr;
	_ =	strace $0xD0000000  }
0x3: {  	_ = 	snop  }
0x4: {  	_ = 	snop  }
0x5: {  	_ = 	snop  }
0x6: {  	_ = 	snop  }
0x7: {  	_ = 	snop  }
__scs_overlays_trampoline_lowered:
0x8: {  	[smem:$0x3FA9] =	sst s0  }
0x9: {  	[smem:$0x3FAA] =	sst s1  }
0xa: {  	[smem:$0x3FAB] =	sst s2  }
0xb: {  	[smem:$0x3FAC] =	sst s3  }
0xc: {  	[smem:$0x3FAD] =	sst s4  }
0xd: {  	[smem:$0x3FAE] =	sst s5  }
0xe: {  	[smem:$0x3FAF] =	sst s6  }
0xf: {  	[smem:$0x3FB0] =	sst s7  }
0x10: {  	[smem:$0x3FB1] =	sst s8  }
0x11: {  	[smem:$0x3FB2] =	sst s9;
	s0 =	simm.s32 @!p0 $0x0  }
0x12: {  	s1 =	sld [smem:$0x3F98];
	s0 =	simm.s32 @p0 $0x1  }
0x13: {  	[smem:$0x3FB3] =	sst s0;
	s0 =	simm.s32 @!p1 $0x0  }
0x14: {  	s2 =	sld [smem:$0x3F97];
	s0 =	simm.s32 @p1 $0x1  }
0x15: {  	[smem:$0x3FB4] =	sst s0;
	s0 =	simm.s32 @!p2 $0x0  }
0x16: {  	s3 =	sld [smem:$0x3FDB];
	s0 =	simm.s32 @p2 $0x1  }
0x17: {  	s4 =	simm.s32 $0x1BF5;
	[smem:$0x3FB6] =	sst s0  }
0x18: {  	s0 =	sld [smem:$0x3F99];
	_ =	swait.ge [sflag:s4], $0x0  }
0x19: {  	s7 =	sld [smem:$0x3F9A]  }
0x1a: {  	s8 =	sadd.s32 $0xFFFFE003, lr  }
0x1b: {  	s9 =	sadd.s32 $0xFFFFFEF7, lr;
	s5 =	simm.s32 $0xFFFFFFFF;
	p2 =	slt.u32 s8, $0xFFFFF086  }
0x1c: {  	p1 =	slt.u32 s9, $0xF7A;
	s5 =	simm.s32 @!p2 $0x0  }
0x1d: {  	s5 =	simm.s32 @p1 $0x1;
	p0 =	seq.s32 s7, s2  }
0x1e: {  	s7 =	smul.u32 @!p0 $0xF7A, s2;
	p2 =	seq.s32 @!p0 s5, $0x0  }
0x1f: {  	s9 =	smul.u32 $0xF7A, s1;
	s8 =	simm.s32 @!p0 $0x1BF5;
	p2 =	por !p2, p0  }
0x20: {  	[sflag:s8] =	ssyncset.s32 @!p0 $0xFFFFF086;
	s6 =	sadd.s32 @!p0 s3, s7;
	s7 =	simm.s32 @!p0 $0x108  }
0x21: {  	s3 =	sadd.s32 s3, s9;
	s6 =	sadd.s32 @!p0 $0x88, s6;
	s7 =	simm.s32 @p2 $0x1082  }
0x22: {  	[simem:s7], [sflag:s8] =	dma.local @!p0 [hbm:s6], $0xF7A  }
0x23: {  	s9 =	sor.u32 $0xD0000000, s2;
	s6 =	simm.s32 $0x108;
	_ =	swait.ge @!p0 [sflag:s8], $0x0  }
0x24: {  	s3 =	sadd.s32 $0x88, s3;
	s6 =	simm.s32 @!p1 $0x1082;
	[sflag:s4] =	ssyncset.s32 $0xFFFFF086  }
0x25: {  	[simem:s6], [sflag:s4] =	dma.local [hbm:s3], $0xF7A  }
0x26: {  	[smem:$0x3F9A] =	sst s1;
	(tag) =	ssettag s2;
	_ =	strace s9  }
0x27: {  	s1 =	sld [smem:$0x3FAA]  }
0x28: {  	s2 =	sld [smem:$0x3FAB]  }
0x29: {  	s4 =	sld [smem:$0x3FAD]  }
0x2a: {  	p0 =	seq.s32 s5, $0x0;
	s5 =	sld [smem:$0x3FAE]  }
0x2b: {  	s6 =	sld [smem:$0x3FAF]  }
0x2c: {  	s7 =	sld [smem:$0x3FB0]  }
0x2d: {  	s3 =	simm.s32 $0x108;
	s8 =	sld [smem:$0x3FB1]  }
0x2e: {  	s3 =	simm.s32 @!p0 $0x1082;
	s9 =	sld [smem:$0x3FB2]  }
0x2f: {  	lr =	sadd.s32 s0, s3;
	s0 =	sld [smem:$0x3FA9]  }
0x30: {  	s3 =	sld [smem:$0x3FAC]  }
0x31: {  	[smem:$0x3FB5] =	sst s10  }
0x32: {  	s10 =	sld [smem:$0x3FB3];
	_ =	sdelay $0x3  }
0x33: {  	p0 =	seq.s32 s10, $0x1;
	s10 =	sld [smem:$0x3FB5];
	_ =	sdelay $0x3  }
0x34: {  	[smem:$0x3FB5] =	sst s10  }
0x35: {  	s10 =	sld [smem:$0x3FB4];
	_ =	sdelay $0x3  }
0x36: {  	p1 =	seq.s32 s10, $0x1;
	s10 =	sld [smem:$0x3FB5];
	_ =	sdelay $0x3  }
0x37: {  	[smem:$0x3FB5] =	sst s10  }
0x38: {  	s10 =	sld [smem:$0x3FB6]  }
0x39: {  	_ = 	snop;
	(pc) =	sbr.ind lr, $3  }
0x3a: {  	_ = 	snop  }
0x3b: {  	_ = 	snop  }
0x3c: {  	p2 =	seq.s32 s10, $0x1;
	s10 =	sld [smem:$0x3FB5]  }
0x3d: {  	_ =	shalt  }
0x3e: {  	_ =	shalt  }
0x3f: {  	_ =	shalt  }
0x40: {  	_ =	shalt  }
0x41: {  	_ =	shalt  }
0x42: {  	_ =	shalt  }
0x43: {  	_ =	shalt  }
0x44: {  	_ =	shalt  }
0x45: {  	_ =	shalt  }
0x46: {  	_ =	shalt  }
0x47: {  	_ =	shalt  }
0x48: {  	_ =	shalt  }
0x49: {  	_ =	shalt  }
0x4a: {  	_ =	shalt  }
0x4b: {  	_ =	shalt  }
0x4c: {  	_ =	shalt  }
0x4d: {  	_ =	shalt  }
0x4e: {  	_ =	shalt  }
0x4f: {  	_ =	shalt  }
0x50: {  	_ =	shalt  }
0x51: {  	_ =	shalt  }
0x52: {  	_ =	shalt  }
0x53: {  	_ =	shalt  }
0x54: {  	_ =	shalt  }
0x55: {  	_ =	shalt  }
0x56: {  	_ =	shalt  }
0x57: {  	_ =	shalt  }
0x58: {  	_ =	shalt  }
0x59: {  	_ =	shalt  }
0x5a: {  	_ =	shalt  }
0x5b: {  	_ =	shalt  }
0x5c: {  	_ =	shalt  }
0x5d: {  	_ =	shalt  }
0x5e: {  	_ =	shalt  }
0x5f: {  	_ =	shalt  }
0x60: {  	_ =	shalt  }
0x61: {  	_ =	shalt  }
0x62: {  	_ =	shalt  }
0x63: {  	_ =	shalt  }
0x64: {  	_ =	shalt  }
0x65: {  	_ =	shalt  }
0x66: {  	_ =	shalt  }
0x67: {  	_ =	shalt  }
0x68: {  	_ =	shalt  }
0x69: {  	_ =	shalt  }
0x6a: {  	_ =	shalt  }
0x6b: {  	_ =	shalt  }
0x6c: {  	_ =	shalt  }
0x6d: {  	_ =	shalt  }
0x6e: {  	_ =	shalt  }
0x6f: {  	_ =	shalt  }
0x70: {  	_ =	shalt  }
0x71: {  	_ =	shalt  }
0x72: {  	_ =	shalt  }
0x73: {  	_ =	shalt  }
0x74: {  	_ =	shalt  }
0x75: {  	_ =	shalt  }
0x76: {  	_ =	shalt  }
0x77: {  	_ =	shalt  }
0x78: {  	_ =	shalt  }
0x79: {  	_ =	shalt  }
0x7a: {  	_ =	shalt  }
0x7b: {  	_ =	shalt  }
0x7c: {  	_ =	shalt  }
0x7d: {  	_ =	shalt  }
0x7e: {  	_ =	shalt  }
0x7f: {  	_ =	shalt  }
0x80: {  	_ =	shalt  }
0x81: {  	_ =	shalt  }
0x82: {  	_ =	shalt  }
0x83: {  	_ =	shalt  }
0x84: {  	_ =	shalt  }
0x85: {  	_ =	shalt  }
0x86: {  	_ =	shalt  }
0x87: {  	_ =	shalt  }
.Lfunc_end0:
.L_simem_size_0:
called_computation_lowered:
.L_overlay_start_0:
0x88: {  	s2 =	sld [smem:$0x3FD9]  }
0x89: {  	s3 =	sld [smem:$0x3FFE];
	_ =	sdelay $0x1  }
0x8a: {  	s1 =	srdreg.scid  }
0x8b: {  	s0 =	sand.u32 $0x1, s1  }
0x8c: {  	s17 =	sshll.u32 s0, $0xA;
	s2 =	sadd.s32 s3, s2  }
0x8d: {  	s2 =	sadd.s32 s2, s17  }
0x8e: {  	[smem:$0x3FC1] =	sst s2  }
0x8f: {  	_ = 	snop  }
0x90: {  	s2 =	sld [smem:$0x3FC4]  }
0x91: {  	s18 =	sld [smem:$0x3FC3]  }
0x92: {  	s4 =	sld [smem:$0x3FD0];
	(tm) =	ssettm $0x1  }
0x93: {  	s5 =	sld [smem:$0x3FFB];
	_ =	sdelay $0x3  }
0x94: {  	_ =	strace s5  }
0x95: {  	s5 =	sld [smem:$0x3FFC];
	_ =	sdelay $0x3  }
0x96: {  	_ =	strace s5  }
0x97: {  	s5 =	sld [smem:$0x3FFD];
	_ =	sdelay $0x3  }
0x98: {  	_ =	strace s5  }
0x99: {  	_ =	strace $0x8FFFFFFF  }
0x9a: {  	s19 =	sld [smem:$0x3FDB];
	_ =	sdelay $0x1  }
0x9b: {  	s6 =	simm.s32 $_scs_section_size  }
0x9c: {  	s7 =	simm.s32 $_size__tile_overlayer_lowered;
	s8 =	simm.s32 $_tile_overlayer_lowered  }
0x9d: {  	s22 =	simm.s32 $0x1BFF;
	s21 =	sshll.u32 s8, $0x1;
	s5 =	sadd.s32 s6, s19  }
0x9e: {  	s9 =	simm.s32 $0x0;
	s20 =	sshll.u32 s7, $0x1;
	s7 =	sadd.s32 s21, s5  }
0x9f: {  	[timem:s9], [sflag:s22] =	dma.local [hbm:s7], s20  }
0xa0: {  	_ =	swait.ge [sflag:s22], s20  }
0xa1: {  	s6 =	ssub.s32 $0x0, s20;
	[sflag:s22] =	ssyncset.done $0x0  }
0xa2: {  	[sflag:s22] =	ssyncadd.s32 s6;
	_ =	sdelay $0x1  }
0xa3: {  	s23 =	simm.s32 $0x1B8B  }
0xa4: {  	_ =	swait.ge [sflag:s23], $0x1  }
0xa5: {  	[sflag:s23] =	ssyncset.done $0x0  }
0xa6: {  	s25 =	simm.s32 $0x1B8E;
	s24 =	sld [smem:$0x3FFE];
	[sflag:s23] =	ssyncadd.s32 $0xFFFFFFFF  }
0xa7: {  	s26 =	simm.s32 $execute0_lowered;
	[smem:$0x3FD2] =	sst s25  }
0xa8: {  	s7 =	sshll.u32 s26, $0x1;
	_ =	strace $0x80000046;
	[dreg:$0x1] =	wrdreg $0xFFFFFFFF  }
0xa9: {  	s28 =	simm.s32 $_size_execute0_lowered;
	s5 =	sadd.s32 s5, s7;
	[dreg:$0x0] =	wrdreg $0x0  }
0xaa: {  	s7 =	sshll.u32 s28, $0x1;
	[dreg:$0x2] =	wrdreg s5  }
0xab: {  	[dreg:$0x3] =	wrdreg s7  }
0xac: {  	[dreg:$0x4] =	wrdreg $0xC0  }
0xad: {  	_ =	task [dreg:s9], $0x5FFFF  }
0xae: {  	[dreg:$0x1] =	wrdreg $0xFFFFFFFF  }
0xaf: {  	[dreg:$0x0] =	wrdreg $0x60  }
0xb0: {  	[dreg:$0x2] =	wrdreg s24  }
0xb1: {  	[dreg:$0x3] =	wrdreg s2  }
0xb2: {  	[dreg:$0x4] =	wrdreg s18  }
0xb3: {  	[dreg:$0x5] =	wrdreg s4  }
0xb4: {  	[dreg:$0x6] =	wrdreg $0x9  }
0xb5: {  	_ =	task.clear_ibuf [dreg:s9], $0x7FFFF;
	_ =	strace $0x90000046  }
0xb6: {  	s29 =	simm.s32 $0x9;
	_ =	strace $0x80000048  }
0xb7: {  	_ =	swait.ge [sflag:s29], $0x1  }
0xb8: {  	[sflag:s29] =	ssyncadd.s32 $0xFFFFFFFF  }
0xb9: {  	_ =	strace $0x90000048  }
0xba: {  	_ =	sfence  }
0xbb: {  	s30 =	sld [smem:$0x0];
	_ =	sdelay $0x2  }
0xbc: {  	s31 =	sshll.u32 s1, $0xD;
	s1 =	sshrl.u32 s1, $0x2  }
0xbd: {  	s3 =	sand.u32 $0x4000, s31;
	s1 =	sadd.s32 s1, s30  }
0xbe: {  	s0 =	sor.u32 s3, s0;
	s1 =	sshll.u32 s1, $0x11  }
0xbf: {  	s0 =	sor.u32 s1, s0  }
0xc0: {  	s0 =	sadd.s32 $0x8F2B, s0  }
0xc1: {  	[sflag:s0] =	ssyncadd.remote.s32 $0x1  }
0xc2: {  	_ =	sfence.sel $0xFFFF  }
0xc3: {  	[dreg:$0x0] =	wrdreg $0xFFFFFFFF;
	(pc) =	sbr.abs _section_cstart, $3  }
0xc4: {  	[dreg:$0x1] =	wrdreg $0xFFFFFFFF  }
0xc5: {  	_ =	task.clear_ibuf [dreg:s9], $0x2FFFF;
	_ =	strace $0x9FFFFFFF  }
0xc6: {  	(tm) =	ssettm $0x7FFFFFFF  }
0xc7: {  	_ =	shalt  }
tec
execute0_lowered:
.L_overlay_start_1:
0x0: {  	(tag) =	ssettag $0x1  }
0x1: {  	s0 =	rddreg [dreg:$0x0]  }
0x2: {  	s1 =	rddreg [dreg:$0x1]  }
0x3: {  	s2 =	srdreg.scid;
	s13 =	rddreg [dreg:$0x2]  }
0x4: {  	s3 =	stileid.u32;
	s16 =	rddreg [dreg:$0x3];
	s18 =	simm.s32 $0x4F00  }
0x5: {  	s19 =	simm.s32 $0x7680;
	s28 =	simm.s32 $0x5;
	s29 =	simm.s32 $0x6  }
0x6: {  	s30 =	simm.s32 $0x0;
	s4 =	sand.u32 $0x1, s2;
	s20 =	sshll.u32 s3, $0x1  }
0x7: {  	s2 =	simm.s32 $0x0;
	s8 =	sadd.s32 $0x1680, s0;
	s9 =	sadd.s32 $0x480, s16  }
0x8: {  	s20 =	sor.u32 s4, s20;
	[smem:$0x7FF] =	sst s2;
	s22 =	ssub.s32 $0x2, s4  }
0x9: {  	s4 =	sadd.s32 $0x1E00, s0;
	s21 =	sshll.u32 s20, $0x4;
	s5 =	sshll.u32 s20, $0xA  }
0xa: {  	s6 =	smul.u32 $0x2710, s20;
	_ =	strace $0x80000047;
	p0 =	seq.s32 s20, $0x1F  }
0xb: {  	p1 =	seq.s32 s20, $0x0;
	s7 =	sshrl.u32 s22, $0x1;
	s15 =	sadd.s32 $0xFFFFFFFF, s20  }
0xc: {  	s3 =	sadd.s32 $0x10, s21;
	s5 =	sadd.s32 $0xFFFFFC00, s5;
	s17 =	ssub.s32 s22, s7  }
0xd: {  	s7 =	sadd.s32 $0x16E0, s0;
	s21 =	simm.s32 $0x1;
	s22 =	simm.s32 $0x2  }
0xe: {  	s3 =	sand.u32 $0x70, s3;
	s11 =	sshrl.u32 s5, $0x3;
	s17 =	smax.u32 s17, $0x1  }
0xf: {  	s12 =	ssub.s32 s6, s3;
	s10 =	sadd.s32 s11, s0;
	s3 =	sadd.s32 $0x1800, s0  }
0x10: {  	s11 =	sadd.s32 s16, s11;
	s5 =	smov.u32 s12;
	s25 =	sadd.s32 $0x2710, s12  }
0x11: {  	s10 =	sadd.s32 $0x1200, s10;
	s5 =	simm.s32 @p0 $0x4BA80;
	s26 =	sshrl.u32 s25, $0x3  }
0x12: {  	s5 =	simm.s32 @p1 $0x0;
	s31 =	sand.u32 $0xFFFFFF0, s26;
	p1 =	sgt.u32 s15, $0x8  }
0x13: {  	s15 =	sadd.s32 $0x9C40, s16;
	s26 =	simm.s32 $0x3B80;
	s23 =	sshrl.u32 s5, $0x3  }
0x14: {  	s14 =	sadd.s32 $0x1400, s5;
	p2 =	seq.s32 @p1 s20, $0x0;
	s5 =	sadd.s32 s1, s23  }
0x15: {  	s6 =	sadd.s32 s13, s23;
	s24 =	sshrl.u32 s14, $0x3;
	s14 =	sadd.s32 s16, s31  }
0x16: {  	s16 =	sadd.s32 $0xA120, s16;
	p3 =	por p2, !p1;
	s23 =	simm.s32 $0x3  }
0x17: {  	s12 =	sadd.s32 s1, s24;
	s13 =	sadd.s32 s13, s24;
	p3 =	sne.s32 @!p3 s20, $0xA  }
0x18: {  	s24 =	simm.s32 $0x4;
	p4 =	por @p1 p3, p2;
	p5 =	por @p1 !p3, p2  }
0x19: {  	p2 =	por !p2, !p1;
	p3 =	por p4, !p1;
	p4 =	por !p5, !p1  }
.LBB2_1:
0x1a: {  	[tilespmem:s18], [sflag:$0x3] =	stream.linear.gather [hbm4b:s3+s2], $0x2780, $0x38;
	[tilespmem:$0xCA00] =	vst v63  }
0x1b: {  	_ = 	snop  }
0x1c: {  	[tilespmem:s19], [sflag:$0x4] =	stream.linear.gather [hbm4b:s4+s2], $0x2780, $0x38;
	[tilespmem:$0xCA00] =	vst v63  }
0x1d: {  	_ = 	snop  }
0x1e: {  	[tilespmem:s2], [sflag:$0x1] =	stream.linear.gather [hbm4b:s5+s2], $0x1400, $0x38;
	[tilespmem:$0xCA00] =	vst v63  }
0x1f: {  	s0 =	simm.s32 $0x2780  }
0x20: {  	[tilespmem:s0], [sflag:$0x2] =	stream.linear.gather [hbm4b:s6+s2], $0x1400, $0x38;
	[tilespmem:$0xCA00] =	vst v63  }
0x21: {  	s1 =	simm.s32 @!p2 $0x9E00;
	s0 =	simm.s32 @!p2 $0x0  }
0x22: {  	[tilespmem:s1], [sflag:$0x7] =	stream.linear.gather @!p2 [hbm4b:s7+s0], $0x80, $0x38;
	[tilespmem:$0xCA00] =	vst v63  }
0x23: {  	s0 =	simm.s32 @!p2 $0x7  }
0x24: {  	_ =	swait.ge @!p2 [sflag:s0], $0x80  }
0x25: {  	s31 =	simm.s32 @!p3 $0x0;
	[sflag:s0] =	ssyncset.done @!p2 $0x0  }
0x26: {  	s1 =	simm.s32 @!p3 $0x7;
	[sflag:s0] =	ssyncadd.s32 @!p2 $0xFFFFFF80;
	s0 =	simm.s32 @!p3 $0xC600  }
0x27: {  	[tilespmem:s0], [sflag:$0x7] =	stream.linear.gather @!p3 [hbm4b:s8+s31], $0x300, $0x38;
	[tilespmem:$0xCA00] =	vst v63  }
0x28: {  	_ =	swait.ge @!p3 [sflag:s1], $0x300  }
0x29: {  	[sflag:s1] =	ssyncset.done @!p3 $0x0  }
0x2a: {  	[sflag:s1] =	ssyncadd.s32 @!p3 $0xFFFFFD00  }
0x2b: {  	[hbm4b:s9+s31] =	stream.linear.scatter @!p3 [tilespmem:s0], [sflag:$0x7], $0x300, $0x38;
	[tilespmem:$0xCA00] =	vst v63  }
0x2c: {  	_ =	swait.ge @!p3 [sflag:s1], $0x300  }
0x2d: {  	s20 =	simm.s32 @!p1 $0x7;
	[sflag:s1] =	ssyncset.done @!p3 $0x0  }
0x2e: {  	s0 =	simm.s32 @!p1 $0x0;
	[sflag:s1] =	ssyncadd.s32 @!p3 $0xFFFFFD00;
	s1 =	simm.s32 @!p1 $0xC600  }
0x2f: {  	[tilespmem:s1], [sflag:$0x7] =	stream.linear.gather @!p1 [hbm4b:s10+s0], $0x400, $0x38;
	[tilespmem:$0xCA00] =	vst v63  }
0x30: {  	_ =	swait.ge @!p1 [sflag:s20], $0x400  }
0x31: {  	[sflag:s20] =	ssyncset.done @!p1 $0x0  }
0x32: {  	[sflag:s20] =	ssyncadd.s32 @!p1 $0xFFFFFC00  }
0x33: {  	[hbm4b:s11+s0] =	stream.linear.scatter @!p1 [tilespmem:s1], [sflag:$0x7], $0x400, $0x38;
	[tilespmem:$0xCA00] =	vst v63  }
0x34: {  	_ =	swait.ge @!p1 [sflag:s20], $0x400  }
0x35: {  	[sflag:s20] =	ssyncset.done @!p1 $0x0  }
0x36: {  	[sflag:s20] =	ssyncadd.s32 @!p1 $0xFFFFFC00  }
0x37: {  	_ =	swait.ge [sflag:s21], $0x1400  }
0x38: {  	[sflag:s21] =	ssyncset.done $0x0  }
0x39: {  	[sflag:s21] =	ssyncadd.s32 $0xFFFFEC00  }
0x3a: {  	_ =	swait.ge [sflag:s22], $0x1400  }
0x3b: {  	[sflag:s22] =	ssyncset.done $0x0  }
0x3c: {  	[sflag:s22] =	ssyncadd.s32 $0xFFFFEC00  }
0x3d: {  	_ =	swait.ge [sflag:s23], $0x2780  }
0x3e: {  	[sflag:s23] =	ssyncset.done $0x0  }
0x3f: {  	[sflag:s23] =	ssyncadd.s32 $0xFFFFD880  }
0x40: {  	_ =	swait.ge [sflag:s24], $0x2780  }
0x41: {  	[sflag:s24] =	ssyncset.done $0x0  }
0x42: {  	s20 =	simm.s32 $0x1400;
	[sflag:s24] =	ssyncadd.s32 $0xFFFFD880  }
0x43: {  	[tilespmem:s20], [sflag:$0x5] =	stream.linear.gather [hbm4b:s12+s2], $0x1380, $0x38;
	[tilespmem:$0xCA00] =	vst v63  }
0x44: {  	s25 =	simm.s32 $0x20  }
0x45: {  	[tilespmem:s26], [sflag:$0x6] =	stream.linear.gather [hbm4b:s13+s2], $0x1380, $0x38;
	[tilespmem:$0xCA00] =	vst v63  }
0x46: {  	s20 =	simm.s32 $0x27A0;
	v0 =	vld [tilespmem:s25+$0x10]  }
0x47: {  	v1 =	vld [tilespmem:s20+$0x10]  }
0x48: {  	v2 =	vld [tilespmem:s20+$0xFFFFFFE0]  }
0x49: {  	v3 =	vld [tilespmem:s25+$0xFFFFFFF0]  }
0x4a: {  	v4 =	vld [tilespmem:s20+$0xFFFFFFF0]  }
0x4b: {  	v5 =	vld [tilespmem:s25+$0x0]  }
0x4c: {  	v6 =	vld [tilespmem:s20+$0x0]  }
0x4d: {  	s1 =	simm.s32 $0x27E0;
	v7 =	vld [tilespmem:s25+$0xFFFFFFE0]  }
0x4e: {  	v9 =	vld [tilespmem:s1+$0x10]  }
0x4f: {  	v10 =	vld [tilespmem:s1+$0xFFFFFFE0]  }
0x50: {  	v12 =	vld [tilespmem:s1+$0xFFFFFFF0]  }
0x51: {  	s25 =	simm.s32 $0x60;
	v14 =	vld [tilespmem:s1+$0x0]  }
0x52: {  	v8 =	vld [tilespmem:s25+$0x10]  }
0x53: {  	v11 =	vld [tilespmem:s25+$0xFFFFFFF0]  }
0x54: {  	v13 =	vld [tilespmem:s25+$0x0]  }
0x55: {  	v15 =	vld [tilespmem:s25+$0xFFFFFFE0]  }
0x56: {  	v0 =	vld.idx.msk [tilespmem:v0+s18+$0x0], $0xffff  }
0x57: {  	v1 =	vld.idx.msk [tilespmem:v1+s19+$0x0], $0xffff  }
0x58: {  	v2 =	vld.idx.msk [tilespmem:v2+s19+$0x0], $0xffff  }
0x59: {  	v3 =	vld.idx.msk [tilespmem:v3+s18+$0x0], $0xffff  }
0x5a: {  	v4 =	vld.idx.msk [tilespmem:v4+s19+$0x0], $0xffff  }
0x5b: {  	v5 =	vld.idx.msk [tilespmem:v5+s18+$0x0], $0xffff  }
0x5c: {  	v6 =	vld.idx.msk [tilespmem:v6+s19+$0x0], $0xffff  }
0x5d: {  	v7 =	vld.idx.msk [tilespmem:v7+s18+$0x0], $0xffff  }
0x5e: {  	s31 =	simm.s32 @p4 $0x0;
	v9 =	vld.idx.msk [tilespmem:v9+s19+$0x0], $0xffff  }
0x5f: {  	s31 =	simm.s32 @!p2 $0x10;
	v8 =	vld.idx.msk [tilespmem:v8+s18+$0x0], $0xffff  }
0x60: {  	s31 =	simm.s32 @!p1 $0x0;
	v16 =	vadd.f32 v1, v0;
	v0 =	vld.idx.msk [tilespmem:v10+s19+$0x0], $0xffff  }
0x61: {  	s0 =	sor.u32 $0x9E20, s31;
	v4 =	vadd.f32 v4, v3;
	v1 =	vld.idx.msk [tilespmem:v11+s18+$0x0], $0xffff  }
0x62: {  	v5 =	vadd.f32 v6, v5;
	v3 =	vld.idx.msk [tilespmem:v12+s19+$0x0], $0xffff;
	[tilespmem:s0+$0x10] =	vst v16  }
0x63: {  	v6 =	vadd.f32 v2, v7;
	v2 =	vld.idx.msk [tilespmem:v13+s18+$0x0], $0xffff;
	[tilespmem:s0+$0xFFFFFFF0] =	vst v4  }
0x64: {  	[tilespmem:s0+$0x0] =	vst v5;
	v4 =	vld.idx.msk [tilespmem:v14+s19+$0x0], $0xffff  }
0x65: {  	s31 =	sshll.u32 s31, $0x2;
	s20 =	simm.s32 $0x4;
	s25 =	simm.s32 $0xA0;
	[tilespmem:s0+$0xFFFFFFE0] =	vst v6;
	v5 =	vld.idx.msk [tilespmem:v15+s18+$0x0], $0xffff;
	v6 =	vadd.f32 v9, v8  }
.LBB2_2:
0x66: {  	v7 =	vld [tilespmem:s25+$0x10];
	s1 =	sadd.s32 $0x40, s1;
	s0 =	sadd.s32 $0x40, s0  }
0x67: {  	s20 =	sadd.s32 $0x4, s20;
	v8 =	vld [tilespmem:s1+$0x10];
	[tilespmem:s0+$0x10] =	vst v6  }
0x68: {  	p5 =	slt.u32 s20, $0x13C;
	v1 =	vadd.f32 v3, v1;
	v6 =	vld [tilespmem:s1+$0xFFFFFFE0]  }
0x69: {  	v3 =	vld [tilespmem:s25+$0xFFFFFFF0]  }
0x6a: {  	v9 =	vld [tilespmem:s1+$0xFFFFFFF0];
	[tilespmem:s0+$0xFFFFFFF0] =	vst v1;
	v1 =	vadd.f32 v4, v2  }
0x6b: {  	v0 =	vadd.f32 v0, v5;
	v2 =	vld [tilespmem:s25+$0x0]  }
0x6c: {  	v4 =	vld [tilespmem:s1+$0x0];
	[tilespmem:s0+$0x0] =	vst v1  }
0x6d: {  	v5 =	vld [tilespmem:s25+$0xFFFFFFE0];
	[tilespmem:s0+$0xFFFFFFE0] =	vst v0  }
0x6e: {  	v7 =	vld.idx.msk [tilespmem:v7+s18+$0x0], $0xffff  }
0x6f: {  	v8 =	vld.idx.msk [tilespmem:v8+s19+$0x0], $0xffff  }
0x70: {  	v0 =	vld.idx.msk [tilespmem:v6+s19+$0x0], $0xffff  }
.Ltmp0:
0x71: {  	v1 =	vld.idx.msk [tilespmem:v3+s18+$0x0], $0xffff;
	(pc) =	sbr.rel @p5 .LBB2_2-.Ltmp0, $4  }
0x72: {  	v3 =	vld.idx.msk [tilespmem:v9+s19+$0x0], $0xffff  }
0x73: {  	v2 =	vld.idx.msk [tilespmem:v2+s18+$0x0], $0xffff  }
0x74: {  	v4 =	vld.idx.msk [tilespmem:v4+s19+$0x0], $0xffff  }
0x75: {  	s25 =	sadd.s32 $0x40, s25;
	v6 =	vadd.f32 v8, v7;
	v5 =	vld.idx.msk [tilespmem:v5+s18+$0x0], $0xffff  }
0x76: {  	_ =	sdelay $0x1  }
0x77: {  	s0 =	sadd.s32 $0x40, s0;
	v1 =	vadd.f32 v3, v1  }
0x78: {  	[tilespmem:s0+$0x10] =	vst v6;
	v2 =	vadd.f32 v4, v2  }
0x79: {  	[tilespmem:s0+$0xFFFFFFF0] =	vst v1;
	v0 =	vadd.f32 v0, v5  }
0x7a: {  	[tilespmem:s0+$0x0] =	vst v2  }
0x7b: {  	[tilespmem:s0+$0xFFFFFFE0] =	vst v0  }
0x7c: {  	_ =	swait.ge [sflag:s28], $0x1380  }
0x7d: {  	[sflag:s28] =	ssyncset.done $0x0  }
0x7e: {  	[sflag:s28] =	ssyncadd.s32 $0xFFFFEC80  }
0x7f: {  	_ =	swait.ge [sflag:s29], $0x1380  }
0x80: {  	[sflag:s29] =	ssyncset.done $0x0  }
0x81: {  	s20 =	simm.s32 $0x1430;
	[sflag:s29] =	ssyncadd.s32 $0xFFFFEC80  }
0x82: {  	s1 =	simm.s32 $0x3BB0;
	v0 =	vld [tilespmem:s20+$0x0]  }
0x83: {  	v1 =	vld [tilespmem:s1+$0x0]  }
0x84: {  	v2 =	vld [tilespmem:s1+$0xFFFFFFD0]  }
0x85: {  	v3 =	vld [tilespmem:s20+$0xFFFFFFE0]  }
0x86: {  	v4 =	vld [tilespmem:s1+$0xFFFFFFE0]  }
0x87: {  	v5 =	vld [tilespmem:s20+$0xFFFFFFF0]  }
0x88: {  	v6 =	vld [tilespmem:s1+$0xFFFFFFF0]  }
0x89: {  	s25 =	simm.s32 $0x1470;
	v7 =	vld [tilespmem:s20+$0xFFFFFFD0]  }
0x8a: {  	v8 =	vld [tilespmem:s25+$0x0]  }
0x8b: {  	v11 =	vld [tilespmem:s25+$0xFFFFFFE0]  }
0x8c: {  	v13 =	vld [tilespmem:s25+$0xFFFFFFF0]  }
0x8d: {  	s1 =	simm.s32 $0x3BF0;
	v15 =	vld [tilespmem:s25+$0xFFFFFFD0]  }
0x8e: {  	v9 =	vld [tilespmem:s1+$0x0]  }
0x8f: {  	v10 =	vld [tilespmem:s1+$0xFFFFFFD0]  }
0x90: {  	v12 =	vld [tilespmem:s1+$0xFFFFFFE0]  }
0x91: {  	v14 =	vld [tilespmem:s1+$0xFFFFFFF0]  }
0x92: {  	v0 =	vld.idx.msk [tilespmem:v0+s18+$0x0], $0xffff  }
0x93: {  	v1 =	vld.idx.msk [tilespmem:v1+s19+$0x0], $0xffff  }
0x94: {  	v2 =	vld.idx.msk [tilespmem:v2+s19+$0x0], $0xffff  }
0x95: {  	v3 =	vld.idx.msk [tilespmem:v3+s18+$0x0], $0xffff  }
0x96: {  	v4 =	vld.idx.msk [tilespmem:v4+s19+$0x0], $0xffff  }
0x97: {  	v5 =	vld.idx.msk [tilespmem:v5+s18+$0x0], $0xffff  }
0x98: {  	v6 =	vld.idx.msk [tilespmem:v6+s19+$0x0], $0xffff  }
0x99: {  	v7 =	vld.idx.msk [tilespmem:v7+s18+$0x0], $0xffff  }
0x9a: {  	v8 =	vld.idx.msk [tilespmem:v8+s18+$0x0], $0xffff  }
0x9b: {  	v9 =	vld.idx.msk [tilespmem:v9+s19+$0x0], $0xffff  }
0x9c: {  	s31 =	sshrl.u32 s31, $0x2;
	v16 =	vadd.f32 v1, v0;
	v0 =	vld.idx.msk [tilespmem:v10+s19+$0x0], $0xffff  }
0x9d: {  	s0 =	sadd.s32 $0xB230, s31;
	v4 =	vadd.f32 v4, v3;
	v1 =	vld.idx.msk [tilespmem:v11+s18+$0x0], $0xffff  }
0x9e: {  	v5 =	vadd.f32 v6, v5;
	v3 =	vld.idx.msk [tilespmem:v12+s19+$0x0], $0xffff;
	[tilespmem:s0+$0x0] =	vst v16  }
0x9f: {  	v6 =	vadd.f32 v2, v7;
	v2 =	vld.idx.msk [tilespmem:v13+s18+$0x0], $0xffff;
	[tilespmem:s0+$0xFFFFFFE0] =	vst v4  }
0xa0: {  	[tilespmem:s0+$0xFFFFFFF0] =	vst v5;
	v4 =	vld.idx.msk [tilespmem:v14+s19+$0x0], $0xffff  }
0xa1: {  	s20 =	simm.s32 $0x144;
	s25 =	simm.s32 $0x14B0;
	[tilespmem:s0+$0xFFFFFFD0] =	vst v6;
	v5 =	vld.idx.msk [tilespmem:v15+s18+$0x0], $0xffff;
	v6 =	vadd.f32 v9, v8  }
.LBB2_4:
0xa2: {  	v7 =	vld [tilespmem:s25+$0x0];
	s1 =	sadd.s32 $0x40, s1;
	s0 =	sadd.s32 $0x40, s0  }
0xa3: {  	s20 =	sadd.s32 $0x4, s20;
	v8 =	vld [tilespmem:s1+$0x0];
	[tilespmem:s0+$0x0] =	vst v6  }
0xa4: {  	p5 =	slt.u32 s20, $0x274;
	v1 =	vadd.f32 v3, v1;
	v6 =	vld [tilespmem:s1+$0xFFFFFFD0]  }
0xa5: {  	v3 =	vld [tilespmem:s25+$0xFFFFFFE0]  }
0xa6: {  	v9 =	vld [tilespmem:s1+$0xFFFFFFE0];
	[tilespmem:s0+$0xFFFFFFE0] =	vst v1;
	v1 =	vadd.f32 v4, v2  }
0xa7: {  	v0 =	vadd.f32 v0, v5;
	v2 =	vld [tilespmem:s25+$0xFFFFFFF0]  }
0xa8: {  	v4 =	vld [tilespmem:s1+$0xFFFFFFF0];
	[tilespmem:s0+$0xFFFFFFF0] =	vst v1  }
0xa9: {  	v5 =	vld [tilespmem:s25+$0xFFFFFFD0];
	[tilespmem:s0+$0xFFFFFFD0] =	vst v0  }
0xaa: {  	v7 =	vld.idx.msk [tilespmem:v7+s18+$0x0], $0xffff  }
0xab: {  	v8 =	vld.idx.msk [tilespmem:v8+s19+$0x0], $0xffff  }
0xac: {  	v0 =	vld.idx.msk [tilespmem:v6+s19+$0x0], $0xffff  }
.Ltmp1:
0xad: {  	v1 =	vld.idx.msk [tilespmem:v3+s18+$0x0], $0xffff;
	(pc) =	sbr.rel @p5 .LBB2_4-.Ltmp1, $4  }
0xae: {  	v3 =	vld.idx.msk [tilespmem:v9+s19+$0x0], $0xffff  }
0xaf: {  	v2 =	vld.idx.msk [tilespmem:v2+s18+$0x0], $0xffff  }
0xb0: {  	v4 =	vld.idx.msk [tilespmem:v4+s19+$0x0], $0xffff  }
0xb1: {  	s25 =	sadd.s32 $0x40, s25;
	v6 =	vadd.f32 v8, v7;
	v5 =	vld.idx.msk [tilespmem:v5+s18+$0x0], $0xffff  }
0xb2: {  	_ =	sdelay $0x1  }
0xb3: {  	s0 =	sadd.s32 $0x40, s0;
	v1 =	vadd.f32 v3, v1  }
0xb4: {  	[tilespmem:s0+$0x0] =	vst v6;
	v2 =	vadd.f32 v4, v2  }
0xb5: {  	[tilespmem:s0+$0xFFFFFFE0] =	vst v1;
	v0 =	vadd.f32 v0, v5  }
0xb6: {  	[tilespmem:s0+$0xFFFFFFF0] =	vst v2  }
0xb7: {  	s1 =	simm.s32 @p0 $0x9E70;
	[tilespmem:s0+$0xFFFFFFD0] =	vst v0;
	s0 =	simm.s32 @p0 $0x0  }
0xb8: {  	[hbm4b:s15+s0] =	stream.linear.scatter @p0 [tilespmem:s1], [sflag:$0x7], $0x2700, $0x38;
	[tilespmem:$0xCA00] =	vst v63  }
0xb9: {  	s1 =	simm.s32 @p0 $0x7  }
0xba: {  	_ =	swait.ge @p0 [sflag:s1], $0x2700  }
0xbb: {  	[sflag:s1] =	ssyncset.done @p0 $0x0  }
0xbc: {  	s20 =	simm.s32 @p0 $0xC570;
	[sflag:s1] =	ssyncadd.s32 @p0 $0xFFFFD900  }
0xbd: {  	[hbm4b:s16+s0] =	stream.linear.scatter @p0 [tilespmem:s20], [sflag:$0x7], $0x10, $0x38;
	[tilespmem:$0xCA00] =	vst v63  }
0xbe: {  	s30 =	sadd.s32 $0x1, s30;
	_ =	swait.ge @p0 [sflag:s1], $0x10  }
0xbf: {  	p5 =	sne.s32 s30, s17;
	[sflag:s1] =	ssyncset.done @p0 $0x0  }
0xc0: {  	s0 =	simm.s32 @!p0 $0x0;
	[sflag:s1] =	ssyncadd.s32 @p0 $0xFFFFFFF0;
	s1 =	simm.s32 @!p0 $0x9E00  }
0xc1: {  	[hbm4b:s14+s0] =	stream.linear.scatter @!p0 [tilespmem:s1], [sflag:$0x7], $0x2780, $0x38;
	[tilespmem:$0xCA00] =	vst v63  }
.Ltmp2:
0xc2: {  	_ = 	snop;
	(pc) =	sbr.rel @p5 .LBB2_1-.Ltmp2, $4  }
0xc3: {  	s0 =	simm.s32 @!p0 $0x7  }
0xc4: {  	_ =	swait.ge @!p0 [sflag:s0], $0x2780  }
0xc5: {  	[sflag:s0] =	ssyncset.done @!p0 $0x0  }
0xc6: {  	[sflag:s0] =	ssyncadd.s32 @!p0 $0xFFFFD880  }
0xc7: {  	_ =	sfence.sel $0x180000  }
0xc8: {  	[bflag:$0x0] =	sbarrier.arrive $0xFFFF  }
0xc9: {  	_ =	strace $0x90000047  }
0xca: {  	s0 =	stileid.u32;
	[bflag:$0x2] =	sbarrier.arrive $0xFFFF  }
0xcb: {  	p0 =	sne.s32 s0, $0x0;
	s0 =	rddreg [dreg:$0x4]  }
0xcc: {  	s0 =	sadd.s32 @!p0 $0x100000, s0  }
0xcd: {  	[sflag:s0] =	ssyncadd.tile.s32 @!p0 $0x1;
	_ =	shalt  }
.Lfunc_end2:
_tile_overlayer_lowered:
.L_overlay_start_2:
0xce: {  	(tag) =	ssettag $0x2  }
0xcf: {  	s0 =	rddreg [dreg:$0x0];
	s2 =	stileid.u32  }
0xd0: {  	s1 =	rddreg [dreg:$0x1];
	p0 =	sne.s32 s2, $0x0  }
0xd1: {  	s3 =	rddreg [dreg:$0x2];
	[bflag:$0x3] =	sbarrier.arrive $0xFFFF;
	s2 =	simm.s32 @!p0 $0x1C07  }
0xd2: {  	[timem:s3], [sflag:s2] =	dma.local @!p0 [hbm:s0], s1  }
0xd3: {  	s0 =	simm.s32 @!p0 $0x7  }
0xd4: {  	_ =	swait.ge @!p0 [sflag:s0], s1  }
0xd5: {  	s1 =	ssub.s32 @!p0 $0x0, s1;
	[sflag:s0] =	ssyncset.done @!p0 $0x0  }
0xd6: {  	[sflag:s0] =	ssyncadd.s32 @!p0 s1  }
0xd7: {  	[bflag:$0x3] =	sbarrier.arrive $0xFFFF  }
0xd8: {  	_ =	shalt  }

</sc_bundles>
